<compile_context>
chip_gen: v7x
topology: tpu7x:2x2x1
jax: 0.10.2.dev20260603
libtpu: 0.0.44.dev20260713+nightly
codegen_flags: <defaults>
</compile_context>

<pallas_src>
import functools

import jax
import jax.numpy as jnp
from jax import lax
from jax.experimental import pallas as pl
from jax.experimental.pallas import tpu as pltpu
from jax.experimental.pallas import tpu_sc as plsc

_BLOCK = 2048
_NC = 2
_NS = 16
_NW = _NC * _NS


def _mlp_block(s_ref, w1_ref, b1_ref, w2_ref, b2_ref, w3_ref, b3_ref,
               logit_ref):
    h1 = jnp.maximum(
        jnp.dot(s_ref[...], w1_ref[...], preferred_element_type=jnp.float32)
        + b1_ref[...], 0.0)
    h2 = jnp.maximum(
        jnp.dot(h1, w2_ref[...], preferred_element_type=jnp.float32)
        + b2_ref[...], 0.0)
    logit_ref[...] = jnp.dot(
        h2, w3_ref[...], preferred_element_type=jnp.float32) + b3_ref[...]


def _router_logits(student_emb, W1, b1, W2, b2, W3, b3):
    batch, dim = student_emb.shape
    hidden = W1.shape[1]
    half = W2.shape[1]
    return pl.pallas_call(
        _mlp_block,
        grid=(batch // _BLOCK,),
        in_specs=[
            pl.BlockSpec((_BLOCK, dim), lambda i: (i, 0)),
            pl.BlockSpec((dim, hidden), lambda i: (0, 0)),
            pl.BlockSpec((1, hidden), lambda i: (0, 0)),
            pl.BlockSpec((hidden, half), lambda i: (0, 0)),
            pl.BlockSpec((1, half), lambda i: (0, 0)),
            pl.BlockSpec((half, 1), lambda i: (0, 0)),
            pl.BlockSpec((1, 1), lambda i: (0, 0)),
        ],
        out_specs=pl.BlockSpec((_BLOCK, 1), lambda i: (i, 0)),
        out_shape=jax.ShapeDtypeStruct((batch, 1), jnp.float32),
    )(student_emb, W1, b1.reshape(1, hidden), W2, b2.reshape(1, half), W3,
      b3.reshape(1, 1))


def _sc_select_body(rows_per_w, logit_hbm, s_hbm, t_hbm, out_hbm, lbuf, sem):
    wid = lax.axis_index("s") * _NC + lax.axis_index("c")
    base = wid * rows_per_w
    pltpu.sync_copy(logit_hbm.at[pl.ds(base, rows_per_w)], lbuf)

    def group_body(g, carry):
        lvec = lbuf[pl.ds(g * 16, 16)]
        for j in range(16):
            row = base + g * 16 + j
            m = lvec[j] > 0.0

            @pl.when(m)
            def _():
                pltpu.async_copy(t_hbm.at[pl.ds(row, 1)],
                                 out_hbm.at[pl.ds(row, 1)], sem)

            @pl.when(jnp.logical_not(m))
            def _():
                pltpu.async_copy(s_hbm.at[pl.ds(row, 1)],
                                 out_hbm.at[pl.ds(row, 1)], sem)

        return carry

    lax.fori_loop(0, rows_per_w // 16, group_body, 0)
    pltpu.make_async_copy(s_hbm.at[pl.ds(base, rows_per_w)],
                          out_hbm.at[pl.ds(base, rows_per_w)], sem).wait()


def _sc_select(logits, student_emb, teacher_emb):
    batch, dim = student_emb.shape
    rows_per_w = batch // _NW
    mesh = plsc.VectorSubcoreMesh(core_axis_name="c", subcore_axis_name="s")
    return pl.kernel(
        functools.partial(_sc_select_body, rows_per_w),
        mesh=mesh,
        out_type=jax.ShapeDtypeStruct((batch, dim), jnp.float32),
        scratch_types=[
            pltpu.VMEM((rows_per_w,), jnp.float32),
            pltpu.SemaphoreType.DMA,
        ],
    )(logits, student_emb, teacher_emb)


def kernel(student_emb, teacher_emb, W1, b1, W2, b2, W3, b3):
    logits2d = _router_logits(student_emb, W1, b1, W2, b2, W3, b3)
    logits = logits2d.reshape(-1)
    out = _sc_select(logits, student_emb, teacher_emb)
    use_teacher = logits > 0.0
    return (out, use_teacher)

# --- scband reference (transcript-rebuilt; emitter-appended) ---
"""Pipeline reference for scband-routing-module-38259568673063 (READ-ONLY COPY).

The authoritative reference and input builder live on the scoring server;
editing this copy changes nothing except your own understanding.
"""

import jax, jax.numpy as jnp
import numpy as np

STUDENT_DIM = 768
HIDDEN = 256
BATCH = 16384
THRESHOLD = 0.5


def setup_inputs(seed: int = 0) -> dict:
    key = jax.random.key(seed)
    ks = jax.random.split(key, 8)
    inp = {
        "student_emb": jax.random.normal(ks[0], (BATCH, STUDENT_DIM), dtype=jnp.float32),
        "teacher_emb": jax.random.normal(ks[1], (BATCH, STUDENT_DIM), dtype=jnp.float32),
        "W1": jax.random.normal(ks[2], (STUDENT_DIM, HIDDEN), dtype=jnp.float32) * 0.02,
        "b1": jnp.zeros((HIDDEN,), dtype=jnp.float32),
        "W2": jax.random.normal(ks[3], (HIDDEN, HIDDEN // 2), dtype=jnp.float32) * 0.02,
        "b2": jnp.zeros((HIDDEN // 2,), dtype=jnp.float32),
        "W3": jax.random.normal(ks[4], (HIDDEN // 2, 1), dtype=jnp.float32) * 0.02,
        "b3": jnp.zeros((1,), dtype=jnp.float32),
    }
    return inp


def reference(student_emb, teacher_emb, W1, b1, W2, b2, W3, b3):
    # Router MLP (eval mode: dropout is identity). Detached as in torch.no_grad().
    h = jax.nn.relu(student_emb @ W1 + b1)
    h = jax.nn.relu(h @ W2 + b2)
    difficulty_scores = jax.nn.sigmoid(h @ W3 + b3)[:, 0]
    difficulty_scores = jax.lax.stop_gradient(difficulty_scores)
    use_teacher = difficulty_scores > THRESHOLD
    # features['sentence_embedding'][teacher_indices] = teacher_embs -> masked overwrite
    sentence_embedding = jnp.where(use_teacher[:, None], teacher_emb, student_emb)
    return (sentence_embedding, use_teacher)

if __name__ == "__main__":
    import jax
    _d = setup_inputs()
    print(jax.jit(kernel)(*tuple(_d.values())))

</pallas_src>

<mosaic_0001>
#map = affine_map<(d0, d1) -> (0)>
#map1 = affine_map<(d0, d1) -> (0, 0)>
module attributes {stable_mosaic.version = 14 : i64} {
  func.func @_sc_select_body(%arg0: i32, %arg1: i32, %arg2: memref<16384xf32, #tpu.memory_space<hbm>>, %arg3: memref<16384x768xf32, #tpu.memory_space<hbm>>, %arg4: memref<16384x768xf32, #tpu.memory_space<hbm>>, %arg5: memref<16384x768xf32, #tpu.memory_space<hbm>>, %arg6: memref<512xf32, #tpu.memory_space<vmem>>, %arg7: memref<!tpu.dma_semaphore, #tpu.memory_space<semaphore_mem>>) attributes {dimension_semantics = [#tpu.dimension_semantics<core_parallel>, #tpu.dimension_semantics<subcore_parallel>], iteration_bounds = array<i64: 2, 16>, scalar_prefetch = 0 : i64, scratch_operands = 2 : i64, tpu.core_type = #tpu.core_type<sc_vector_subcore>, window_params = [{transform_indices = #map}, {transform_indices = #map1}, {transform_indices = #map1}, {transform_indices = #map1}]} {
    %mul3A = arith.constant 2 : i32
    %mul3A_0 = arith.muli %arg1, %mul3A : i32
    %add3A = arith.addi %mul3A_0, %arg0 : i32
    %mul3A_1 = arith.constant 512 : i32
    %mul3A_2 = arith.muli %add3A, %mul3A_1 : i32
    "tpu.region"() ({
      %run_scoped3A = tpu.sem_alloc : memref<!tpu.dma_semaphore, #tpu.memory_space<semaphore_mem>>
      %dma_start3A = tpu.memref_slice %arg2[%mul3A_2] : memref<16384xf32, #tpu.memory_space<hbm>> -> memref<512xf32, #tpu.memory_space<hbm>>
      %dma_start3A_11 = tpu.memref_slice %arg2[%mul3A_2] : memref<16384xf32, #tpu.memory_space<hbm>> -> memref<512xf32, #tpu.memory_space<hbm>>
      tpu.enqueue_dma source(%dma_start3A_11 : memref<512xf32, #tpu.memory_space<hbm>>) target(%arg6 : memref<512xf32, #tpu.memory_space<vmem>>) target_semaphore(%run_scoped3A : memref<!tpu.dma_semaphore, #tpu.memory_space<semaphore_mem>>)
      %dma_wait3A_12 = tpu.memref_slice %arg2[%mul3A_2] : memref<16384xf32, #tpu.memory_space<hbm>> -> memref<512xf32, #tpu.memory_space<hbm>>
      %dma_wait3A_13 = tpu.memref_slice %arg2[%mul3A_2] : memref<16384xf32, #tpu.memory_space<hbm>> -> memref<512xf32, #tpu.memory_space<hbm>>
      tpu.wait_dma2 semaphore(%run_scoped3A : memref<!tpu.dma_semaphore, #tpu.memory_space<semaphore_mem>>) src(%dma_wait3A_13 : memref<512xf32, #tpu.memory_space<hbm>>) dst(%arg6 : memref<512xf32, #tpu.memory_space<vmem>>)
      tpu.yield
    }) : () -> ()
    %scan3A = arith.constant 0 : i32
    %scan3A_3 = arith.constant 0 : i32
    %scan3A_4 = arith.constant 32 : i32
    %scan3A_5 = arith.addi %scan3A_3, %scan3A_4 : i32
    %scan3A_6 = arith.constant 1 : i32
    scf.for %scan3A_11 = %scan3A_3 to %scan3A_5 step %scan3A_6  : i32 {
      %mul3A_12 = arith.constant 16 : i32
      %mul3A_13 = arith.muli %scan3A_11, %mul3A_12 : i32
      %get3A = arith.index_cast %mul3A_13 : i32 to index
      %get3A_14 = tpu.vector_load %arg6[%get3A] {strides = array<i32>} : memref<512xf32, #tpu.memory_space<vmem>>, vector<16xf32>,
      %get3A_15 = vector.shape_cast %get3A_14 : vector<16xf32> to vector<16xf32>
      %mul3A_16 = arith.constant 16 : i32
      %mul3A_17 = arith.muli %scan3A_11, %mul3A_16 : i32
      %add3A_18 = arith.addi %mul3A_2, %mul3A_17 : i32
      %add3A_19 = arith.constant 0 : i32
      %add3A_20 = arith.addi %add3A_18, %add3A_19 : i32
      %slice3A = vector.extract_strided_slice %get3A_15 {offsets = [0], sizes = [1], strides = [1]} : vector<16xf32> to vector<1xf32>
      %squeeze3A = vector.extract %slice3A[0] : f32 from vector<1xf32>
      %gt3A = arith.constant 0.000000e+00 : f32
      %gt3A_21 = arith.cmpf ogt, %squeeze3A, %gt3A : f32
      %convert_element_type3A = arith.extui %gt3A_21 : i1 to i32
      %cond3A = arith.constant 0 : i32
      %cond3A_22 = arith.cmpi ne, %convert_element_type3A, %cond3A : i32
      scf.if %cond3A_22 {
        %dma_start3A = arith.constant 0 : i32
        %dma_start3A_282 = tpu.memref_slice %arg5[%add3A_20, %dma_start3A] : memref<16384x768xf32, #tpu.memory_space<hbm>> -> memref<1x768xf32, #tpu.memory_space<hbm>>
        %dma_start3A_283 = arith.constant 0 : i32
        %dma_start3A_284 = tpu.memref_slice %arg4[%add3A_20, %dma_start3A_283] : memref<16384x768xf32, #tpu.memory_space<hbm>> -> memref<1x768xf32, #tpu.memory_space<hbm>>
        tpu.enqueue_dma source(%dma_start3A_284 : memref<1x768xf32, #tpu.memory_space<hbm>>) target(%dma_start3A_282 : memref<1x768xf32, #tpu.memory_space<hbm>>) target_semaphore(%arg7 : memref<!tpu.dma_semaphore, #tpu.memory_space<semaphore_mem>>)
      } else {
      }
      %not3A = arith.constant true
      %not3A_23 = arith.xori %gt3A_21, %not3A : i1
      %convert_element_type3A_24 = arith.extui %not3A_23 : i1 to i32
      %cond3A_25 = arith.constant 0 : i32
      %cond3A_26 = arith.cmpi ne, %convert_element_type3A_24, %cond3A_25 : i32
      scf.if %cond3A_26 {
        %dma_start3A = arith.constant 0 : i32
        %dma_start3A_282 = tpu.memref_slice %arg5[%add3A_20, %dma_start3A] : memref<16384x768xf32, #tpu.memory_space<hbm>> -> memref<1x768xf32, #tpu.memory_space<hbm>>
        %dma_start3A_283 = arith.constant 0 : i32
        %dma_start3A_284 = tpu.memref_slice %arg3[%add3A_20, %dma_start3A_283] : memref<16384x768xf32, #tpu.memory_space<hbm>> -> memref<1x768xf32, #tpu.memory_space<hbm>>
        tpu.enqueue_dma source(%dma_start3A_284 : memref<1x768xf32, #tpu.memory_space<hbm>>) target(%dma_start3A_282 : memref<1x768xf32, #tpu.memory_space<hbm>>) target_semaphore(%arg7 : memref<!tpu.dma_semaphore, #tpu.memory_space<semaphore_mem>>)
      } else {
      }
      %mul3A_27 = arith.constant 16 : i32
      %mul3A_28 = arith.muli %scan3A_11, %mul3A_27 : i32
      %add3A_29 = arith.addi %mul3A_2, %mul3A_28 : i32
      %add3A_30 = arith.constant 1 : i32
      %add3A_31 = arith.addi %add3A_29, %add3A_30 : i32
      %slice3A_32 = vector.extract_strided_slice %get3A_15 {offsets = [1], sizes = [1], strides = [1]} : vector<16xf32> to vector<1xf32>
      %squeeze3A_33 = vector.extract %slice3A_32[0] : f32 from vector<1xf32>
      %gt3A_34 = arith.constant 0.000000e+00 : f32
      %gt3A_35 = arith.cmpf ogt, %squeeze3A_33, %gt3A_34 : f32
      %convert_element_type3A_36 = arith.extui %gt3A_35 : i1 to i32
      %cond3A_37 = arith.constant 0 : i32
      %cond3A_38 = arith.cmpi ne, %convert_element_type3A_36, %cond3A_37 : i32
      scf.if %cond3A_38 {
        %dma_start3A = arith.constant 0 : i32
        %dma_start3A_282 = tpu.memref_slice %arg5[%add3A_31, %dma_start3A] : memref<16384x768xf32, #tpu.memory_space<hbm>> -> memref<1x768xf32, #tpu.memory_space<hbm>>
        %dma_start3A_283 = arith.constant 0 : i32
        %dma_start3A_284 = tpu.memref_slice %arg4[%add3A_31, %dma_start3A_283] : memref<16384x768xf32, #tpu.memory_space<hbm>> -> memref<1x768xf32, #tpu.memory_space<hbm>>
        tpu.enqueue_dma source(%dma_start3A_284 : memref<1x768xf32, #tpu.memory_space<hbm>>) target(%dma_start3A_282 : memref<1x768xf32, #tpu.memory_space<hbm>>) target_semaphore(%arg7 : memref<!tpu.dma_semaphore, #tpu.memory_space<semaphore_mem>>)
      } else {
      }
      %not3A_39 = arith.constant true
      %not3A_40 = arith.xori %gt3A_35, %not3A_39 : i1
      %convert_element_type3A_41 = arith.extui %not3A_40 : i1 to i32
      %cond3A_42 = arith.constant 0 : i32
      %cond3A_43 = arith.cmpi ne, %convert_element_type3A_41, %cond3A_42 : i32
      scf.if %cond3A_43 {
        %dma_start3A = arith.constant 0 : i32
        %dma_start3A_282 = tpu.memref_slice %arg5[%add3A_31, %dma_start3A] : memref<16384x768xf32, #tpu.memory_space<hbm>> -> memref<1x768xf32, #tpu.memory_space<hbm>>
        %dma_start3A_283 = arith.constant 0 : i32
        %dma_start3A_284 = tpu.memref_slice %arg3[%add3A_31, %dma_start3A_283] : memref<16384x768xf32, #tpu.memory_space<hbm>> -> memref<1x768xf32, #tpu.memory_space<hbm>>
        tpu.enqueue_dma source(%dma_start3A_284 : memref<1x768xf32, #tpu.memory_space<hbm>>) target(%dma_start3A_282 : memref<1x768xf32, #tpu.memory_space<hbm>>) target_semaphore(%arg7 : memref<!tpu.dma_semaphore, #tpu.memory_space<semaphore_mem>>)
      } else {
      }
      %mul3A_44 = arith.constant 16 : i32
      %mul3A_45 = arith.muli %scan3A_11, %mul3A_44 : i32
      %add3A_46 = arith.addi %mul3A_2, %mul3A_45 : i32
      %add3A_47 = arith.constant 2 : i32
      %add3A_48 = arith.addi %add3A_46, %add3A_47 : i32
      %slice3A_49 = vector.extract_strided_slice %get3A_15 {offsets = [2], sizes = [1], strides = [1]} : vector<16xf32> to vector<1xf32>
      %squeeze3A_50 = vector.extract %slice3A_49[0] : f32 from vector<1xf32>
      %gt3A_51 = arith.constant 0.000000e+00 : f32
      %gt3A_52 = arith.cmpf ogt, %squeeze3A_50, %gt3A_51 : f32
      %convert_element_type3A_53 = arith.extui %gt3A_52 : i1 to i32
      %cond3A_54 = arith.constant 0 : i32
      %cond3A_55 = arith.cmpi ne, %convert_element_type3A_53, %cond3A_54 : i32
      scf.if %cond3A_55 {
        %dma_start3A = arith.constant 0 : i32
        %dma_start3A_282 = tpu.memref_slice %arg5[%add3A_48, %dma_start3A] : memref<16384x768xf32, #tpu.memory_space<hbm>> -> memref<1x768xf32, #tpu.memory_space<hbm>>
        %dma_start3A_283 = arith.constant 0 : i32
        %dma_start3A_284 = tpu.memref_slice %arg4[%add3A_48, %dma_start3A_283] : memref<16384x768xf32, #tpu.memory_space<hbm>> -> memref<1x768xf32, #tpu.memory_space<hbm>>
        tpu.enqueue_dma source(%dma_start3A_284 : memref<1x768xf32, #tpu.memory_space<hbm>>) target(%dma_start3A_282 : memref<1x768xf32, #tpu.memory_space<hbm>>) target_semaphore(%arg7 : memref<!tpu.dma_semaphore, #tpu.memory_space<semaphore_mem>>)
      } else {
      }
      %not3A_56 = arith.constant true
      %not3A_57 = arith.xori %gt3A_52, %not3A_56 : i1
      %convert_element_type3A_58 = arith.extui %not3A_57 : i1 to i32
      %cond3A_59 = arith.constant 0 : i32
      %cond3A_60 = arith.cmpi ne, %convert_element_type3A_58, %cond3A_59 : i32
      scf.if %cond3A_60 {
        %dma_start3A = arith.constant 0 : i32
        %dma_start3A_282 = tpu.memref_slice %arg5[%add3A_48, %dma_start3A] : memref<16384x768xf32, #tpu.memory_space<hbm>> -> memref<1x768xf32, #tpu.memory_space<hbm>>
        %dma_start3A_283 = arith.constant 0 : i32
        %dma_start3A_284 = tpu.memref_slice %arg3[%add3A_48, %dma_start3A_283] : memref<16384x768xf32, #tpu.memory_space<hbm>> -> memref<1x768xf32, #tpu.memory_space<hbm>>
        tpu.enqueue_dma source(%dma_start3A_284 : memref<1x768xf32, #tpu.memory_space<hbm>>) target(%dma_start3A_282 : memref<1x768xf32, #tpu.memory_space<hbm>>) target_semaphore(%arg7 : memref<!tpu.dma_semaphore, #tpu.memory_space<semaphore_mem>>)
      } else {
      }
      %mul3A_61 = arith.constant 16 : i32
      %mul3A_62 = arith.muli %scan3A_11, %mul3A_61 : i32
      %add3A_63 = arith.addi %mul3A_2, %mul3A_62 : i32
      %add3A_64 = arith.constant 3 : i32
      %add3A_65 = arith.addi %add3A_63, %add3A_64 : i32
      %slice3A_66 = vector.extract_strided_slice %get3A_15 {offsets = [3], sizes = [1], strides = [1]} : vector<16xf32> to vector<1xf32>
      %squeeze3A_67 = vector.extract %slice3A_66[0] : f32 from vector<1xf32>
      %gt3A_68 = arith.constant 0.000000e+00 : f32
      %gt3A_69 = arith.cmpf ogt, %squeeze3A_67, %gt3A_68 : f32
      %convert_element_type3A_70 = arith.extui %gt3A_69 : i1 to i32
      %cond3A_71 = arith.constant 0 : i32
      %cond3A_72 = arith.cmpi ne, %convert_element_type3A_70, %cond3A_71 : i32
      scf.if %cond3A_72 {
        %dma_start3A = arith.constant 0 : i32
        %dma_start3A_282 = tpu.memref_slice %arg5[%add3A_65, %dma_start3A] : memref<16384x768xf32, #tpu.memory_space<hbm>> -> memref<1x768xf32, #tpu.memory_space<hbm>>
        %dma_start3A_283 = arith.constant 0 : i32
        %dma_start3A_284 = tpu.memref_slice %arg4[%add3A_65, %dma_start3A_283] : memref<16384x768xf32, #tpu.memory_space<hbm>> -> memref<1x768xf32, #tpu.memory_space<hbm>>
        tpu.enqueue_dma source(%dma_start3A_284 : memref<1x768xf32, #tpu.memory_space<hbm>>) target(%dma_start3A_282 : memref<1x768xf32, #tpu.memory_space<hbm>>) target_semaphore(%arg7 : memref<!tpu.dma_semaphore, #tpu.memory_space<semaphore_mem>>)
      } else {
      }
      %not3A_73 = arith.constant true
      %not3A_74 = arith.xori %gt3A_69, %not3A_73 : i1
      %convert_element_type3A_75 = arith.extui %not3A_74 : i1 to i32
      %cond3A_76 = arith.constant 0 : i32
      %cond3A_77 = arith.cmpi ne, %convert_element_type3A_75, %cond3A_76 : i32
      scf.if %cond3A_77 {
        %dma_start3A = arith.constant 0 : i32
        %dma_start3A_282 = tpu.memref_slice %arg5[%add3A_65, %dma_start3A] : memref<16384x768xf32, #tpu.memory_space<hbm>> -> memref<1x768xf32, #tpu.memory_space<hbm>>
        %dma_start3A_283 = arith.constant 0 : i32
        %dma_start3A_284 = tpu.memref_slice %arg3[%add3A_65, %dma_start3A_283] : memref<16384x768xf32, #tpu.memory_space<hbm>> -> memref<1x768xf32, #tpu.memory_space<hbm>>
        tpu.enqueue_dma source(%dma_start3A_284 : memref<1x768xf32, #tpu.memory_space<hbm>>) target(%dma_start3A_282 : memref<1x768xf32, #tpu.memory_space<hbm>>) target_semaphore(%arg7 : memref<!tpu.dma_semaphore, #tpu.memory_space<semaphore_mem>>)
      } else {
      }
      %mul3A_78 = arith.constant 16 : i32
      %mul3A_79 = arith.muli %scan3A_11, %mul3A_78 : i32
      %add3A_80 = arith.addi %mul3A_2, %mul3A_79 : i32
      %add3A_81 = arith.constant 4 : i32
      %add3A_82 = arith.addi %add3A_80, %add3A_81 : i32
      %slice3A_83 = vector.extract_strided_slice %get3A_15 {offsets = [4], sizes = [1], strides = [1]} : vector<16xf32> to vector<1xf32>
      %squeeze3A_84 = vector.extract %slice3A_83[0] : f32 from vector<1xf32>
      %gt3A_85 = arith.constant 0.000000e+00 : f32
      %gt3A_86 = arith.cmpf ogt, %squeeze3A_84, %gt3A_85 : f32
      %convert_element_type3A_87 = arith.extui %gt3A_86 : i1 to i32
      %cond3A_88 = arith.constant 0 : i32
      %cond3A_89 = arith.cmpi ne, %convert_element_type3A_87, %cond3A_88 : i32
      scf.if %cond3A_89 {
        %dma_start3A = arith.constant 0 : i32
        %dma_start3A_282 = tpu.memref_slice %arg5[%add3A_82, %dma_start3A] : memref<16384x768xf32, #tpu.memory_space<hbm>> -> memref<1x768xf32, #tpu.memory_space<hbm>>
        %dma_start3A_283 = arith.constant 0 : i32
        %dma_start3A_284 = tpu.memref_slice %arg4[%add3A_82, %dma_start3A_283] : memref<16384x768xf32, #tpu.memory_space<hbm>> -> memref<1x768xf32, #tpu.memory_space<hbm>>
        tpu.enqueue_dma source(%dma_start3A_284 : memref<1x768xf32, #tpu.memory_space<hbm>>) target(%dma_start3A_282 : memref<1x768xf32, #tpu.memory_space<hbm>>) target_semaphore(%arg7 : memref<!tpu.dma_semaphore, #tpu.memory_space<semaphore_mem>>)
      } else {
      }
      %not3A_90 = arith.constant true
      %not3A_91 = arith.xori %gt3A_86, %not3A_90 : i1
      %convert_element_type3A_92 = arith.extui %not3A_91 : i1 to i32
      %cond3A_93 = arith.constant 0 : i32
      %cond3A_94 = arith.cmpi ne, %convert_element_type3A_92, %cond3A_93 : i32
      scf.if %cond3A_94 {
        %dma_start3A = arith.constant 0 : i32
        %dma_start3A_282 = tpu.memref_slice %arg5[%add3A_82, %dma_start3A] : memref<16384x768xf32, #tpu.memory_space<hbm>> -> memref<1x768xf32, #tpu.memory_space<hbm>>
        %dma_start3A_283 = arith.constant 0 : i32
        %dma_start3A_284 = tpu.memref_slice %arg3[%add3A_82, %dma_start3A_283] : memref<16384x768xf32, #tpu.memory_space<hbm>> -> memref<1x768xf32, #tpu.memory_space<hbm>>
        tpu.enqueue_dma source(%dma_start3A_284 : memref<1x768xf32, #tpu.memory_space<hbm>>) target(%dma_start3A_282 : memref<1x768xf32, #tpu.memory_space<hbm>>) target_semaphore(%arg7 : memref<!tpu.dma_semaphore, #tpu.memory_space<semaphore_mem>>)
      } else {
      }
      %mul3A_95 = arith.constant 16 : i32
      %mul3A_96 = arith.muli %scan3A_11, %mul3A_95 : i32
      %add3A_97 = arith.addi %mul3A_2, %mul3A_96 : i32
      %add3A_98 = arith.constant 5 : i32
      %add3A_99 = arith.addi %add3A_97, %add3A_98 : i32
      %slice3A_100 = vector.extract_strided_slice %get3A_15 {offsets = [5], sizes = [1], strides = [1]} : vector<16xf32> to vector<1xf32>
      %squeeze3A_101 = vector.extract %slice3A_100[0] : f32 from vector<1xf32>
      %gt3A_102 = arith.constant 0.000000e+00 : f32
      %gt3A_103 = arith.cmpf ogt, %squeeze3A_101, %gt3A_102 : f32
      %convert_element_type3A_104 = arith.extui %gt3A_103 : i1 to i32
      %cond3A_105 = arith.constant 0 : i32
      %cond3A_106 = arith.cmpi ne, %convert_element_type3A_104, %cond3A_105 : i32
      scf.if %cond3A_106 {
        %dma_start3A = arith.constant 0 : i32
        %dma_start3A_282 = tpu.memref_slice %arg5[%add3A_99, %dma_start3A] : memref<16384x768xf32, #tpu.memory_space<hbm>> -> memref<1x768xf32, #tpu.memory_space<hbm>>
        %dma_start3A_283 = arith.constant 0 : i32
        %dma_start3A_284 = tpu.memref_slice %arg4[%add3A_99, %dma_start3A_283] : memref<16384x768xf32, #tpu.memory_space<hbm>> -> memref<1x768xf32, #tpu.memory_space<hbm>>
        tpu.enqueue_dma source(%dma_start3A_284 : memref<1x768xf32, #tpu.memory_space<hbm>>) target(%dma_start3A_282 : memref<1x768xf32, #tpu.memory_space<hbm>>) target_semaphore(%arg7 : memref<!tpu.dma_semaphore, #tpu.memory_space<semaphore_mem>>)
      } else {
      }
      %not3A_107 = arith.constant true
      %not3A_108 = arith.xori %gt3A_103, %not3A_107 : i1
      %convert_element_type3A_109 = arith.extui %not3A_108 : i1 to i32
      %cond3A_110 = arith.constant 0 : i32
      %cond3A_111 = arith.cmpi ne, %convert_element_type3A_109, %cond3A_110 : i32
      scf.if %cond3A_111 {
        %dma_start3A = arith.constant 0 : i32
        %dma_start3A_282 = tpu.memref_slice %arg5[%add3A_99, %dma_start3A] : memref<16384x768xf32, #tpu.memory_space<hbm>> -> memref<1x768xf32, #tpu.memory_space<hbm>>
        %dma_start3A_283 = arith.constant 0 : i32
        %dma_start3A_284 = tpu.memref_slice %arg3[%add3A_99, %dma_start3A_283] : memref<16384x768xf32, #tpu.memory_space<hbm>> -> memref<1x768xf32, #tpu.memory_space<hbm>>
        tpu.enqueue_dma source(%dma_start3A_284 : memref<1x768xf32, #tpu.memory_space<hbm>>) target(%dma_start3A_282 : memref<1x768xf32, #tpu.memory_space<hbm>>) target_semaphore(%arg7 : memref<!tpu.dma_semaphore, #tpu.memory_space<semaphore_mem>>)
      } else {
      }
      %mul3A_112 = arith.constant 16 : i32
      %mul3A_113 = arith.muli %scan3A_11, %mul3A_112 : i32
      %add3A_114 = arith.addi %mul3A_2, %mul3A_113 : i32
      %add3A_115 = arith.constant 6 : i32
      %add3A_116 = arith.addi %add3A_114, %add3A_115 : i32
      %slice3A_117 = vector.extract_strided_slice %get3A_15 {offsets = [6], sizes = [1], strides = [1]} : vector<16xf32> to vector<1xf32>
      %squeeze3A_118 = vector.extract %slice3A_117[0] : f32 from vector<1xf32>
      %gt3A_119 = arith.constant 0.000000e+00 : f32
      %gt3A_120 = arith.cmpf ogt, %squeeze3A_118, %gt3A_119 : f32
      %convert_element_type3A_121 = arith.extui %gt3A_120 : i1 to i32
      %cond3A_122 = arith.constant 0 : i32
      %cond3A_123 = arith.cmpi ne, %convert_element_type3A_121, %cond3A_122 : i32
      scf.if %cond3A_123 {
        %dma_start3A = arith.constant 0 : i32
        %dma_start3A_282 = tpu.memref_slice %arg5[%add3A_116, %dma_start3A] : memref<16384x768xf32, #tpu.memory_space<hbm>> -> memref<1x768xf32, #tpu.memory_space<hbm>>
        %dma_start3A_283 = arith.constant 0 : i32
        %dma_start3A_284 = tpu.memref_slice %arg4[%add3A_116, %dma_start3A_283] : memref<16384x768xf32, #tpu.memory_space<hbm>> -> memref<1x768xf32, #tpu.memory_space<hbm>>
        tpu.enqueue_dma source(%dma_start3A_284 : memref<1x768xf32, #tpu.memory_space<hbm>>) target(%dma_start3A_282 : memref<1x768xf32, #tpu.memory_space<hbm>>) target_semaphore(%arg7 : memref<!tpu.dma_semaphore, #tpu.memory_space<semaphore_mem>>)
      } else {
      }
      %not3A_124 = arith.constant true
      %not3A_125 = arith.xori %gt3A_120, %not3A_124 : i1
      %convert_element_type3A_126 = arith.extui %not3A_125 : i1 to i32
      %cond3A_127 = arith.constant 0 : i32
      %cond3A_128 = arith.cmpi ne, %convert_element_type3A_126, %cond3A_127 : i32
      scf.if %cond3A_128 {
        %dma_start3A = arith.constant 0 : i32
        %dma_start3A_282 = tpu.memref_slice %arg5[%add3A_116, %dma_start3A] : memref<16384x768xf32, #tpu.memory_space<hbm>> -> memref<1x768xf32, #tpu.memory_space<hbm>>
        %dma_start3A_283 = arith.constant 0 : i32
        %dma_start3A_284 = tpu.memref_slice %arg3[%add3A_116, %dma_start3A_283] : memref<16384x768xf32, #tpu.memory_space<hbm>> -> memref<1x768xf32, #tpu.memory_space<hbm>>
        tpu.enqueue_dma source(%dma_start3A_284 : memref<1x768xf32, #tpu.memory_space<hbm>>) target(%dma_start3A_282 : memref<1x768xf32, #tpu.memory_space<hbm>>) target_semaphore(%arg7 : memref<!tpu.dma_semaphore, #tpu.memory_space<semaphore_mem>>)
      } else {
      }
      %mul3A_129 = arith.constant 16 : i32
      %mul3A_130 = arith.muli %scan3A_11, %mul3A_129 : i32
      %add3A_131 = arith.addi %mul3A_2, %mul3A_130 : i32
      %add3A_132 = arith.constant 7 : i32
      %add3A_133 = arith.addi %add3A_131, %add3A_132 : i32
      %slice3A_134 = vector.extract_strided_slice %get3A_15 {offsets = [7], sizes = [1], strides = [1]} : vector<16xf32> to vector<1xf32>
      %squeeze3A_135 = vector.extract %slice3A_134[0] : f32 from vector<1xf32>
      %gt3A_136 = arith.constant 0.000000e+00 : f32
      %gt3A_137 = arith.cmpf ogt, %squeeze3A_135, %gt3A_136 : f32
      %convert_element_type3A_138 = arith.extui %gt3A_137 : i1 to i32
      %cond3A_139 = arith.constant 0 : i32
      %cond3A_140 = arith.cmpi ne, %convert_element_type3A_138, %cond3A_139 : i32
      scf.if %cond3A_140 {
        %dma_start3A = arith.constant 0 : i32
        %dma_start3A_282 = tpu.memref_slice %arg5[%add3A_133, %dma_start3A] : memref<16384x768xf32, #tpu.memory_space<hbm>> -> memref<1x768xf32, #tpu.memory_space<hbm>>
        %dma_start3A_283 = arith.constant 0 : i32
        %dma_start3A_284 = tpu.memref_slice %arg4[%add3A_133, %dma_start3A_283] : memref<16384x768xf32, #tpu.memory_space<hbm>> -> memref<1x768xf32, #tpu.memory_space<hbm>>
        tpu.enqueue_dma source(%dma_start3A_284 : memref<1x768xf32, #tpu.memory_space<hbm>>) target(%dma_start3A_282 : memref<1x768xf32, #tpu.memory_space<hbm>>) target_semaphore(%arg7 : memref<!tpu.dma_semaphore, #tpu.memory_space<semaphore_mem>>)
      } else {
      }
      %not3A_141 = arith.constant true
      %not3A_142 = arith.xori %gt3A_137, %not3A_141 : i1
      %convert_element_type3A_143 = arith.extui %not3A_142 : i1 to i32
      %cond3A_144 = arith.constant 0 : i32
      %cond3A_145 = arith.cmpi ne, %convert_element_type3A_143, %cond3A_144 : i32
      scf.if %cond3A_145 {
        %dma_start3A = arith.constant 0 : i32
        %dma_start3A_282 = tpu.memref_slice %arg5[%add3A_133, %dma_start3A] : memref<16384x768xf32, #tpu.memory_space<hbm>> -> memref<1x768xf32, #tpu.memory_space<hbm>>
        %dma_start3A_283 = arith.constant 0 : i32
        %dma_start3A_284 = tpu.memref_slice %arg3[%add3A_133, %dma_start3A_283] : memref<16384x768xf32, #tpu.memory_space<hbm>> -> memref<1x768xf32, #tpu.memory_space<hbm>>
        tpu.enqueue_dma source(%dma_start3A_284 : memref<1x768xf32, #tpu.memory_space<hbm>>) target(%dma_start3A_282 : memref<1x768xf32, #tpu.memory_space<hbm>>) target_semaphore(%arg7 : memref<!tpu.dma_semaphore, #tpu.memory_space<semaphore_mem>>)
      } else {
      }
      %mul3A_146 = arith.constant 16 : i32
      %mul3A_147 = arith.muli %scan3A_11, %mul3A_146 : i32
      %add3A_148 = arith.addi %mul3A_2, %mul3A_147 : i32
      %add3A_149 = arith.constant 8 : i32
      %add3A_150 = arith.addi %add3A_148, %add3A_149 : i32
      %slice3A_151 = vector.extract_strided_slice %get3A_15 {offsets = [8], sizes = [1], strides = [1]} : vector<16xf32> to vector<1xf32>
      %squeeze3A_152 = vector.extract %slice3A_151[0] : f32 from vector<1xf32>
      %gt3A_153 = arith.constant 0.000000e+00 : f32
      %gt3A_154 = arith.cmpf ogt, %squeeze3A_152, %gt3A_153 : f32
      %convert_element_type3A_155 = arith.extui %gt3A_154 : i1 to i32
      %cond3A_156 = arith.constant 0 : i32
      %cond3A_157 = arith.cmpi ne, %convert_element_type3A_155, %cond3A_156 : i32
      scf.if %cond3A_157 {
        %dma_start3A = arith.constant 0 : i32
        %dma_start3A_282 = tpu.memref_slice %arg5[%add3A_150, %dma_start3A] : memref<16384x768xf32, #tpu.memory_space<hbm>> -> memref<1x768xf32, #tpu.memory_space<hbm>>
        %dma_start3A_283 = arith.constant 0 : i32
        %dma_start3A_284 = tpu.memref_slice %arg4[%add3A_150, %dma_start3A_283] : memref<16384x768xf32, #tpu.memory_space<hbm>> -> memref<1x768xf32, #tpu.memory_space<hbm>>
        tpu.enqueue_dma source(%dma_start3A_284 : memref<1x768xf32, #tpu.memory_space<hbm>>) target(%dma_start3A_282 : memref<1x768xf32, #tpu.memory_space<hbm>>) target_semaphore(%arg7 : memref<!tpu.dma_semaphore, #tpu.memory_space<semaphore_mem>>)
      } else {
      }
      %not3A_158 = arith.constant true
      %not3A_159 = arith.xori %gt3A_154, %not3A_158 : i1
      %convert_element_type3A_160 = arith.extui %not3A_159 : i1 to i32
      %cond3A_161 = arith.constant 0 : i32
      %cond3A_162 = arith.cmpi ne, %convert_element_type3A_160, %cond3A_161 : i32
      scf.if %cond3A_162 {
        %dma_start3A = arith.constant 0 : i32
        %dma_start3A_282 = tpu.memref_slice %arg5[%add3A_150, %dma_start3A] : memref<16384x768xf32, #tpu.memory_space<hbm>> -> memref<1x768xf32, #tpu.memory_space<hbm>>
        %dma_start3A_283 = arith.constant 0 : i32
        %dma_start3A_284 = tpu.memref_slice %arg3[%add3A_150, %dma_start3A_283] : memref<16384x768xf32, #tpu.memory_space<hbm>> -> memref<1x768xf32, #tpu.memory_space<hbm>>
        tpu.enqueue_dma source(%dma_start3A_284 : memref<1x768xf32, #tpu.memory_space<hbm>>) target(%dma_start3A_282 : memref<1x768xf32, #tpu.memory_space<hbm>>) target_semaphore(%arg7 : memref<!tpu.dma_semaphore, #tpu.memory_space<semaphore_mem>>)
      } else {
      }
      %mul3A_163 = arith.constant 16 : i32
      %mul3A_164 = arith.muli %scan3A_11, %mul3A_163 : i32
      %add3A_165 = arith.addi %mul3A_2, %mul3A_164 : i32
      %add3A_166 = arith.constant 9 : i32
      %add3A_167 = arith.addi %add3A_165, %add3A_166 : i32
      %slice3A_168 = vector.extract_strided_slice %get3A_15 {offsets = [9], sizes = [1], strides = [1]} : vector<16xf32> to vector<1xf32>
      %squeeze3A_169 = vector.extract %slice3A_168[0] : f32 from vector<1xf32>
      %gt3A_170 = arith.constant 0.000000e+00 : f32
      %gt3A_171 = arith.cmpf ogt, %squeeze3A_169, %gt3A_170 : f32
      %convert_element_type3A_172 = arith.extui %gt3A_171 : i1 to i32
      %cond3A_173 = arith.constant 0 : i32
      %cond3A_174 = arith.cmpi ne, %convert_element_type3A_172, %cond3A_173 : i32
      scf.if %cond3A_174 {
        %dma_start3A = arith.constant 0 : i32
        %dma_start3A_282 = tpu.memref_slice %arg5[%add3A_167, %dma_start3A] : memref<16384x768xf32, #tpu.memory_space<hbm>> -> memref<1x768xf32, #tpu.memory_space<hbm>>
        %dma_start3A_283 = arith.constant 0 : i32
        %dma_start3A_284 = tpu.memref_slice %arg4[%add3A_167, %dma_start3A_283] : memref<16384x768xf32, #tpu.memory_space<hbm>> -> memref<1x768xf32, #tpu.memory_space<hbm>>
        tpu.enqueue_dma source(%dma_start3A_284 : memref<1x768xf32, #tpu.memory_space<hbm>>) target(%dma_start3A_282 : memref<1x768xf32, #tpu.memory_space<hbm>>) target_semaphore(%arg7 : memref<!tpu.dma_semaphore, #tpu.memory_space<semaphore_mem>>)
      } else {
      }
      %not3A_175 = arith.constant true
      %not3A_176 = arith.xori %gt3A_171, %not3A_175 : i1
      %convert_element_type3A_177 = arith.extui %not3A_176 : i1 to i32
      %cond3A_178 = arith.constant 0 : i32
      %cond3A_179 = arith.cmpi ne, %convert_element_type3A_177, %cond3A_178 : i32
      scf.if %cond3A_179 {
        %dma_start3A = arith.constant 0 : i32
        %dma_start3A_282 = tpu.memref_slice %arg5[%add3A_167, %dma_start3A] : memref<16384x768xf32, #tpu.memory_space<hbm>> -> memref<1x768xf32, #tpu.memory_space<hbm>>
        %dma_start3A_283 = arith.constant 0 : i32
        %dma_start3A_284 = tpu.memref_slice %arg3[%add3A_167, %dma_start3A_283] : memref<16384x768xf32, #tpu.memory_space<hbm>> -> memref<1x768xf32, #tpu.memory_space<hbm>>
        tpu.enqueue_dma source(%dma_start3A_284 : memref<1x768xf32, #tpu.memory_space<hbm>>) target(%dma_start3A_282 : memref<1x768xf32, #tpu.memory_space<hbm>>) target_semaphore(%arg7 : memref<!tpu.dma_semaphore, #tpu.memory_space<semaphore_mem>>)
      } else {
      }
      %mul3A_180 = arith.constant 16 : i32
      %mul3A_181 = arith.muli %scan3A_11, %mul3A_180 : i32
      %add3A_182 = arith.addi %mul3A_2, %mul3A_181 : i32
      %add3A_183 = arith.constant 10 : i32
      %add3A_184 = arith.addi %add3A_182, %add3A_183 : i32
      %slice3A_185 = vector.extract_strided_slice %get3A_15 {offsets = [10], sizes = [1], strides = [1]} : vector<16xf32> to vector<1xf32>
      %squeeze3A_186 = vector.extract %slice3A_185[0] : f32 from vector<1xf32>
      %gt3A_187 = arith.constant 0.000000e+00 : f32
      %gt3A_188 = arith.cmpf ogt, %squeeze3A_186, %gt3A_187 : f32
      %convert_element_type3A_189 = arith.extui %gt3A_188 : i1 to i32
      %cond3A_190 = arith.constant 0 : i32
      %cond3A_191 = arith.cmpi ne, %convert_element_type3A_189, %cond3A_190 : i32
      scf.if %cond3A_191 {
        %dma_start3A = arith.constant 0 : i32
        %dma_start3A_282 = tpu.memref_slice %arg5[%add3A_184, %dma_start3A] : memref<16384x768xf32, #tpu.memory_space<hbm>> -> memref<1x768xf32, #tpu.memory_space<hbm>>
        %dma_start3A_283 = arith.constant 0 : i32
        %dma_start3A_284 = tpu.memref_slice %arg4[%add3A_184, %dma_start3A_283] : memref<16384x768xf32, #tpu.memory_space<hbm>> -> memref<1x768xf32, #tpu.memory_space<hbm>>
        tpu.enqueue_dma source(%dma_start3A_284 : memref<1x768xf32, #tpu.memory_space<hbm>>) target(%dma_start3A_282 : memref<1x768xf32, #tpu.memory_space<hbm>>) target_semaphore(%arg7 : memref<!tpu.dma_semaphore, #tpu.memory_space<semaphore_mem>>)
      } else {
      }
      %not3A_192 = arith.constant true
      %not3A_193 = arith.xori %gt3A_188, %not3A_192 : i1
      %convert_element_type3A_194 = arith.extui %not3A_193 : i1 to i32
      %cond3A_195 = arith.constant 0 : i32
      %cond3A_196 = arith.cmpi ne, %convert_element_type3A_194, %cond3A_195 : i32
      scf.if %cond3A_196 {
        %dma_start3A = arith.constant 0 : i32
        %dma_start3A_282 = tpu.memref_slice %arg5[%add3A_184, %dma_start3A] : memref<16384x768xf32, #tpu.memory_space<hbm>> -> memref<1x768xf32, #tpu.memory_space<hbm>>
        %dma_start3A_283 = arith.constant 0 : i32
        %dma_start3A_284 = tpu.memref_slice %arg3[%add3A_184, %dma_start3A_283] : memref<16384x768xf32, #tpu.memory_space<hbm>> -> memref<1x768xf32, #tpu.memory_space<hbm>>
        tpu.enqueue_dma source(%dma_start3A_284 : memref<1x768xf32, #tpu.memory_space<hbm>>) target(%dma_start3A_282 : memref<1x768xf32, #tpu.memory_space<hbm>>) target_semaphore(%arg7 : memref<!tpu.dma_semaphore, #tpu.memory_space<semaphore_mem>>)
      } else {
      }
      %mul3A_197 = arith.constant 16 : i32
      %mul3A_198 = arith.muli %scan3A_11, %mul3A_197 : i32
      %add3A_199 = arith.addi %mul3A_2, %mul3A_198 : i32
      %add3A_200 = arith.constant 11 : i32
      %add3A_201 = arith.addi %add3A_199, %add3A_200 : i32
      %slice3A_202 = vector.extract_strided_slice %get3A_15 {offsets = [11], sizes = [1], strides = [1]} : vector<16xf32> to vector<1xf32>
      %squeeze3A_203 = vector.extract %slice3A_202[0] : f32 from vector<1xf32>
      %gt3A_204 = arith.constant 0.000000e+00 : f32
      %gt3A_205 = arith.cmpf ogt, %squeeze3A_203, %gt3A_204 : f32
      %convert_element_type3A_206 = arith.extui %gt3A_205 : i1 to i32
      %cond3A_207 = arith.constant 0 : i32
      %cond3A_208 = arith.cmpi ne, %convert_element_type3A_206, %cond3A_207 : i32
      scf.if %cond3A_208 {
        %dma_start3A = arith.constant 0 : i32
        %dma_start3A_282 = tpu.memref_slice %arg5[%add3A_201, %dma_start3A] : memref<16384x768xf32, #tpu.memory_space<hbm>> -> memref<1x768xf32, #tpu.memory_space<hbm>>
        %dma_start3A_283 = arith.constant 0 : i32
        %dma_start3A_284 = tpu.memref_slice %arg4[%add3A_201, %dma_start3A_283] : memref<16384x768xf32, #tpu.memory_space<hbm>> -> memref<1x768xf32, #tpu.memory_space<hbm>>
        tpu.enqueue_dma source(%dma_start3A_284 : memref<1x768xf32, #tpu.memory_space<hbm>>) target(%dma_start3A_282 : memref<1x768xf32, #tpu.memory_space<hbm>>) target_semaphore(%arg7 : memref<!tpu.dma_semaphore, #tpu.memory_space<semaphore_mem>>)
      } else {
      }
      %not3A_209 = arith.constant true
      %not3A_210 = arith.xori %gt3A_205, %not3A_209 : i1
      %convert_element_type3A_211 = arith.extui %not3A_210 : i1 to i32
      %cond3A_212 = arith.constant 0 : i32
      %cond3A_213 = arith.cmpi ne, %convert_element_type3A_211, %cond3A_212 : i32
      scf.if %cond3A_213 {
        %dma_start3A = arith.constant 0 : i32
        %dma_start3A_282 = tpu.memref_slice %arg5[%add3A_201, %dma_start3A] : memref<16384x768xf32, #tpu.memory_space<hbm>> -> memref<1x768xf32, #tpu.memory_space<hbm>>
        %dma_start3A_283 = arith.constant 0 : i32
        %dma_start3A_284 = tpu.memref_slice %arg3[%add3A_201, %dma_start3A_283] : memref<16384x768xf32, #tpu.memory_space<hbm>> -> memref<1x768xf32, #tpu.memory_space<hbm>>
        tpu.enqueue_dma source(%dma_start3A_284 : memref<1x768xf32, #tpu.memory_space<hbm>>) target(%dma_start3A_282 : memref<1x768xf32, #tpu.memory_space<hbm>>) target_semaphore(%arg7 : memref<!tpu.dma_semaphore, #tpu.memory_space<semaphore_mem>>)
      } else {
      }
      %mul3A_214 = arith.constant 16 : i32
      %mul3A_215 = arith.muli %scan3A_11, %mul3A_214 : i32
      %add3A_216 = arith.addi %mul3A_2, %mul3A_215 : i32
      %add3A_217 = arith.constant 12 : i32
      %add3A_218 = arith.addi %add3A_216, %add3A_217 : i32
      %slice3A_219 = vector.extract_strided_slice %get3A_15 {offsets = [12], sizes = [1], strides = [1]} : vector<16xf32> to vector<1xf32>
      %squeeze3A_220 = vector.extract %slice3A_219[0] : f32 from vector<1xf32>
      %gt3A_221 = arith.constant 0.000000e+00 : f32
      %gt3A_222 = arith.cmpf ogt, %squeeze3A_220, %gt3A_221 : f32
      %convert_element_type3A_223 = arith.extui %gt3A_222 : i1 to i32
      %cond3A_224 = arith.constant 0 : i32
      %cond3A_225 = arith.cmpi ne, %convert_element_type3A_223, %cond3A_224 : i32
      scf.if %cond3A_225 {
        %dma_start3A = arith.constant 0 : i32
        %dma_start3A_282 = tpu.memref_slice %arg5[%add3A_218, %dma_start3A] : memref<16384x768xf32, #tpu.memory_space<hbm>> -> memref<1x768xf32, #tpu.memory_space<hbm>>
        %dma_start3A_283 = arith.constant 0 : i32
        %dma_start3A_284 = tpu.memref_slice %arg4[%add3A_218, %dma_start3A_283] : memref<16384x768xf32, #tpu.memory_space<hbm>> -> memref<1x768xf32, #tpu.memory_space<hbm>>
        tpu.enqueue_dma source(%dma_start3A_284 : memref<1x768xf32, #tpu.memory_space<hbm>>) target(%dma_start3A_282 : memref<1x768xf32, #tpu.memory_space<hbm>>) target_semaphore(%arg7 : memref<!tpu.dma_semaphore, #tpu.memory_space<semaphore_mem>>)
      } else {
      }
      %not3A_226 = arith.constant true
      %not3A_227 = arith.xori %gt3A_222, %not3A_226 : i1
      %convert_element_type3A_228 = arith.extui %not3A_227 : i1 to i32
      %cond3A_229 = arith.constant 0 : i32
      %cond3A_230 = arith.cmpi ne, %convert_element_type3A_228, %cond3A_229 : i32
      scf.if %cond3A_230 {
        %dma_start3A = arith.constant 0 : i32
        %dma_start3A_282 = tpu.memref_slice %arg5[%add3A_218, %dma_start3A] : memref<16384x768xf32, #tpu.memory_space<hbm>> -> memref<1x768xf32, #tpu.memory_space<hbm>>
        %dma_start3A_283 = arith.constant 0 : i32
        %dma_start3A_284 = tpu.memref_slice %arg3[%add3A_218, %dma_start3A_283] : memref<16384x768xf32, #tpu.memory_space<hbm>> -> memref<1x768xf32, #tpu.memory_space<hbm>>
        tpu.enqueue_dma source(%dma_start3A_284 : memref<1x768xf32, #tpu.memory_space<hbm>>) target(%dma_start3A_282 : memref<1x768xf32, #tpu.memory_space<hbm>>) target_semaphore(%arg7 : memref<!tpu.dma_semaphore, #tpu.memory_space<semaphore_mem>>)
      } else {
      }
      %mul3A_231 = arith.constant 16 : i32
      %mul3A_232 = arith.muli %scan3A_11, %mul3A_231 : i32
      %add3A_233 = arith.addi %mul3A_2, %mul3A_232 : i32
      %add3A_234 = arith.constant 13 : i32
      %add3A_235 = arith.addi %add3A_233, %add3A_234 : i32
      %slice3A_236 = vector.extract_strided_slice %get3A_15 {offsets = [13], sizes = [1], strides = [1]} : vector<16xf32> to vector<1xf32>
      %squeeze3A_237 = vector.extract %slice3A_236[0] : f32 from vector<1xf32>
      %gt3A_238 = arith.constant 0.000000e+00 : f32
      %gt3A_239 = arith.cmpf ogt, %squeeze3A_237, %gt3A_238 : f32
      %convert_element_type3A_240 = arith.extui %gt3A_239 : i1 to i32
      %cond3A_241 = arith.constant 0 : i32
      %cond3A_242 = arith.cmpi ne, %convert_element_type3A_240, %cond3A_241 : i32
      scf.if %cond3A_242 {
        %dma_start3A = arith.constant 0 : i32
        %dma_start3A_282 = tpu.memref_slice %arg5[%add3A_235, %dma_start3A] : memref<16384x768xf32, #tpu.memory_space<hbm>> -> memref<1x768xf32, #tpu.memory_space<hbm>>
        %dma_start3A_283 = arith.constant 0 : i32
        %dma_start3A_284 = tpu.memref_slice %arg4[%add3A_235, %dma_start3A_283] : memref<16384x768xf32, #tpu.memory_space<hbm>> -> memref<1x768xf32, #tpu.memory_space<hbm>>
        tpu.enqueue_dma source(%dma_start3A_284 : memref<1x768xf32, #tpu.memory_space<hbm>>) target(%dma_start3A_282 : memref<1x768xf32, #tpu.memory_space<hbm>>) target_semaphore(%arg7 : memref<!tpu.dma_semaphore, #tpu.memory_space<semaphore_mem>>)
      } else {
      }
      %not3A_243 = arith.constant true
      %not3A_244 = arith.xori %gt3A_239, %not3A_243 : i1
      %convert_element_type3A_245 = arith.extui %not3A_244 : i1 to i32
      %cond3A_246 = arith.constant 0 : i32
      %cond3A_247 = arith.cmpi ne, %convert_element_type3A_245, %cond3A_246 : i32
      scf.if %cond3A_247 {
        %dma_start3A = arith.constant 0 : i32
        %dma_start3A_282 = tpu.memref_slice %arg5[%add3A_235, %dma_start3A] : memref<16384x768xf32, #tpu.memory_space<hbm>> -> memref<1x768xf32, #tpu.memory_space<hbm>>
        %dma_start3A_283 = arith.constant 0 : i32
        %dma_start3A_284 = tpu.memref_slice %arg3[%add3A_235, %dma_start3A_283] : memref<16384x768xf32, #tpu.memory_space<hbm>> -> memref<1x768xf32, #tpu.memory_space<hbm>>
        tpu.enqueue_dma source(%dma_start3A_284 : memref<1x768xf32, #tpu.memory_space<hbm>>) target(%dma_start3A_282 : memref<1x768xf32, #tpu.memory_space<hbm>>) target_semaphore(%arg7 : memref<!tpu.dma_semaphore, #tpu.memory_space<semaphore_mem>>)
      } else {
      }
      %mul3A_248 = arith.constant 16 : i32
      %mul3A_249 = arith.muli %scan3A_11, %mul3A_248 : i32
      %add3A_250 = arith.addi %mul3A_2, %mul3A_249 : i32
      %add3A_251 = arith.constant 14 : i32
      %add3A_252 = arith.addi %add3A_250, %add3A_251 : i32
      %slice3A_253 = vector.extract_strided_slice %get3A_15 {offsets = [14], sizes = [1], strides = [1]} : vector<16xf32> to vector<1xf32>
      %squeeze3A_254 = vector.extract %slice3A_253[0] : f32 from vector<1xf32>
      %gt3A_255 = arith.constant 0.000000e+00 : f32
      %gt3A_256 = arith.cmpf ogt, %squeeze3A_254, %gt3A_255 : f32
      %convert_element_type3A_257 = arith.extui %gt3A_256 : i1 to i32
      %cond3A_258 = arith.constant 0 : i32
      %cond3A_259 = arith.cmpi ne, %convert_element_type3A_257, %cond3A_258 : i32
      scf.if %cond3A_259 {
        %dma_start3A = arith.constant 0 : i32
        %dma_start3A_282 = tpu.memref_slice %arg5[%add3A_252, %dma_start3A] : memref<16384x768xf32, #tpu.memory_space<hbm>> -> memref<1x768xf32, #tpu.memory_space<hbm>>
        %dma_start3A_283 = arith.constant 0 : i32
        %dma_start3A_284 = tpu.memref_slice %arg4[%add3A_252, %dma_start3A_283] : memref<16384x768xf32, #tpu.memory_space<hbm>> -> memref<1x768xf32, #tpu.memory_space<hbm>>
        tpu.enqueue_dma source(%dma_start3A_284 : memref<1x768xf32, #tpu.memory_space<hbm>>) target(%dma_start3A_282 : memref<1x768xf32, #tpu.memory_space<hbm>>) target_semaphore(%arg7 : memref<!tpu.dma_semaphore, #tpu.memory_space<semaphore_mem>>)
      } else {
      }
      %not3A_260 = arith.constant true
      %not3A_261 = arith.xori %gt3A_256, %not3A_260 : i1
      %convert_element_type3A_262 = arith.extui %not3A_261 : i1 to i32
      %cond3A_263 = arith.constant 0 : i32
      %cond3A_264 = arith.cmpi ne, %convert_element_type3A_262, %cond3A_263 : i32
      scf.if %cond3A_264 {
        %dma_start3A = arith.constant 0 : i32
        %dma_start3A_282 = tpu.memref_slice %arg5[%add3A_252, %dma_start3A] : memref<16384x768xf32, #tpu.memory_space<hbm>> -> memref<1x768xf32, #tpu.memory_space<hbm>>
        %dma_start3A_283 = arith.constant 0 : i32
        %dma_start3A_284 = tpu.memref_slice %arg3[%add3A_252, %dma_start3A_283] : memref<16384x768xf32, #tpu.memory_space<hbm>> -> memref<1x768xf32, #tpu.memory_space<hbm>>
        tpu.enqueue_dma source(%dma_start3A_284 : memref<1x768xf32, #tpu.memory_space<hbm>>) target(%dma_start3A_282 : memref<1x768xf32, #tpu.memory_space<hbm>>) target_semaphore(%arg7 : memref<!tpu.dma_semaphore, #tpu.memory_space<semaphore_mem>>)
      } else {
      }
      %mul3A_265 = arith.constant 16 : i32
      %mul3A_266 = arith.muli %scan3A_11, %mul3A_265 : i32
      %add3A_267 = arith.addi %mul3A_2, %mul3A_266 : i32
      %add3A_268 = arith.constant 15 : i32
      %add3A_269 = arith.addi %add3A_267, %add3A_268 : i32
      %slice3A_270 = vector.extract_strided_slice %get3A_15 {offsets = [15], sizes = [1], strides = [1]} : vector<16xf32> to vector<1xf32>
      %squeeze3A_271 = vector.extract %slice3A_270[0] : f32 from vector<1xf32>
      %gt3A_272 = arith.constant 0.000000e+00 : f32
      %gt3A_273 = arith.cmpf ogt, %squeeze3A_271, %gt3A_272 : f32
      %convert_element_type3A_274 = arith.extui %gt3A_273 : i1 to i32
      %cond3A_275 = arith.constant 0 : i32
      %cond3A_276 = arith.cmpi ne, %convert_element_type3A_274, %cond3A_275 : i32
      scf.if %cond3A_276 {
        %dma_start3A = arith.constant 0 : i32
        %dma_start3A_282 = tpu.memref_slice %arg5[%add3A_269, %dma_start3A] : memref<16384x768xf32, #tpu.memory_space<hbm>> -> memref<1x768xf32, #tpu.memory_space<hbm>>
        %dma_start3A_283 = arith.constant 0 : i32
        %dma_start3A_284 = tpu.memref_slice %arg4[%add3A_269, %dma_start3A_283] : memref<16384x768xf32, #tpu.memory_space<hbm>> -> memref<1x768xf32, #tpu.memory_space<hbm>>
        tpu.enqueue_dma source(%dma_start3A_284 : memref<1x768xf32, #tpu.memory_space<hbm>>) target(%dma_start3A_282 : memref<1x768xf32, #tpu.memory_space<hbm>>) target_semaphore(%arg7 : memref<!tpu.dma_semaphore, #tpu.memory_space<semaphore_mem>>)
      } else {
      }
      %not3A_277 = arith.constant true
      %not3A_278 = arith.xori %gt3A_273, %not3A_277 : i1
      %convert_element_type3A_279 = arith.extui %not3A_278 : i1 to i32
      %cond3A_280 = arith.constant 0 : i32
      %cond3A_281 = arith.cmpi ne, %convert_element_type3A_279, %cond3A_280 : i32
      scf.if %cond3A_281 {
        %dma_start3A = arith.constant 0 : i32
        %dma_start3A_282 = tpu.memref_slice %arg5[%add3A_269, %dma_start3A] : memref<16384x768xf32, #tpu.memory_space<hbm>> -> memref<1x768xf32, #tpu.memory_space<hbm>>
        %dma_start3A_283 = arith.constant 0 : i32
        %dma_start3A_284 = tpu.memref_slice %arg3[%add3A_269, %dma_start3A_283] : memref<16384x768xf32, #tpu.memory_space<hbm>> -> memref<1x768xf32, #tpu.memory_space<hbm>>
        tpu.enqueue_dma source(%dma_start3A_284 : memref<1x768xf32, #tpu.memory_space<hbm>>) target(%dma_start3A_282 : memref<1x768xf32, #tpu.memory_space<hbm>>) target_semaphore(%arg7 : memref<!tpu.dma_semaphore, #tpu.memory_space<semaphore_mem>>)
      } else {
      }
    }
    %scan3A_7 = arith.constant 32 : i32
    %dma_wait3A = arith.constant 0 : i32
    %dma_wait3A_8 = tpu.memref_slice %arg5[%mul3A_2, %dma_wait3A] : memref<16384x768xf32, #tpu.memory_space<hbm>> -> memref<512x768xf32, #tpu.memory_space<hbm>>
    %dma_wait3A_9 = arith.constant 0 : i32
    %dma_wait3A_10 = tpu.memref_slice %arg3[%mul3A_2, %dma_wait3A_9] : memref<16384x768xf32, #tpu.memory_space<hbm>> -> memref<512x768xf32, #tpu.memory_space<hbm>>
    tpu.wait_dma2 semaphore(%arg7 : memref<!tpu.dma_semaphore, #tpu.memory_space<semaphore_mem>>) src(%dma_wait3A_10 : memref<512x768xf32, #tpu.memory_space<hbm>>) dst(%dma_wait3A_8 : memref<512x768xf32, #tpu.memory_space<hbm>>)
    return
  }
}

module attributes {stable_mosaic.version = 14 : i64} {
  func.func @_mlp_block(%arg0: i32, %arg1: memref<2048x768xf32, #tpu.memory_space<vmem>>, %arg2: memref<768x256xf32, #tpu.memory_space<vmem>>, %arg3: memref<1x256xf32, #tpu.memory_space<vmem>>, %arg4: memref<256x128xf32, #tpu.memory_space<vmem>>, %arg5: memref<1x128xf32, #tpu.memory_space<vmem>>, %arg6: memref<128x1xf32, #tpu.memory_space<vmem>>, %arg7: memref<1x1xf32, #tpu.memory_space<vmem>>, %arg8: memref<2048x1xf32, #tpu.memory_space<vmem>>) attributes {dimension_semantics = [#tpu.dimension_semantics<arbitrary>], iteration_bounds = array<i64: 8>, scalar_prefetch = 0 : i64, scratch_operands = 0 : i64, tpu.core_type = #tpu.core_type<tc>, window_params = [{transform_indices = @transform_0, window_bounds = array<i64: 2048, 768>}, {pipeline_mode = #tpu.pipeline_mode<synchronous>, transform_indices = @transform_1, window_bounds = array<i64: 768, 256>}, {pipeline_mode = #tpu.pipeline_mode<synchronous>, transform_indices = @transform_2, window_bounds = array<i64: 1, 256>}, {pipeline_mode = #tpu.pipeline_mode<synchronous>, transform_indices = @transform_3, window_bounds = array<i64: 256, 128>}, {pipeline_mode = #tpu.pipeline_mode<synchronous>, transform_indices = @transform_4, window_bounds = array<i64: 1, 128>}, {pipeline_mode = #tpu.pipeline_mode<synchronous>, transform_indices = @transform_5, window_bounds = array<i64: 128, 1>}, {pipeline_mode = #tpu.pipeline_mode<synchronous>, transform_indices = @transform_6, window_bounds = array<i64: 1, 1>}, {transform_indices = @transform_7, window_bounds = array<i64: 2048, 1>}]} {
    %get3A = arith.constant 0 : index
    %get3A_0 = arith.constant 0 : index
    %get3A_1 = vector.load %arg1[%get3A, %get3A_0] : memref<2048x768xf32, #tpu.memory_space<vmem>>, vector<2048x768xf32>
    %get3A_2 = arith.constant 0 : index
    %get3A_3 = arith.constant 0 : index
    %get3A_4 = vector.load %arg2[%get3A_2, %get3A_3] : memref<768x256xf32, #tpu.memory_space<vmem>>, vector<768x256xf32>
    %dot_general3A = arith.constant dense<0.000000e+00> : vector<2048x256xf32>
    %dot_general3A_5 = tpu.matmul %get3A_1, %get3A_4, %dot_general3A {dimension_numbers = #tpu.dot_dimension_numbers<[1], [0], [0], [1], [0, 0, 1, 1], [], []>, transpose_lhs_hint = false} : vector<2048x768xf32>, vector<768x256xf32>, vector<2048x256xf32> -> vector<2048x256xf32>
    %get3A_6 = arith.constant 0 : index
    %get3A_7 = arith.constant 0 : index
    %get3A_8 = vector.load %arg3[%get3A_6, %get3A_7] : memref<1x256xf32, #tpu.memory_space<vmem>>, vector<1x256xf32>
    %add3A = vector.broadcast %get3A_8 : vector<1x256xf32> to vector<2048x256xf32>
    %add3A_9 = arith.addf %dot_general3A_5, %add3A : vector<2048x256xf32>
    %max3A = arith.constant 0.000000e+00 : f32
    %max3A_10 = vector.broadcast %max3A : f32 to vector<2048x256xf32>
    %max3A_11 = arith.maximumf %add3A_9, %max3A_10 : vector<2048x256xf32>
    %get3A_12 = arith.constant 0 : index
    %get3A_13 = arith.constant 0 : index
    %get3A_14 = vector.load %arg4[%get3A_12, %get3A_13] : memref<256x128xf32, #tpu.memory_space<vmem>>, vector<256x128xf32>
    %dot_general3A_15 = arith.constant dense<0.000000e+00> : vector<2048x128xf32>
    %dot_general3A_16 = tpu.matmul %max3A_11, %get3A_14, %dot_general3A_15 {dimension_numbers = #tpu.dot_dimension_numbers<[1], [0], [0], [1], [0, 0, 1, 1], [], []>, transpose_lhs_hint = false} : vector<2048x256xf32>, vector<256x128xf32>, vector<2048x128xf32> -> vector<2048x128xf32>
    %get3A_17 = arith.constant 0 : index
    %get3A_18 = arith.constant 0 : index
    %get3A_19 = vector.load %arg5[%get3A_17, %get3A_18] : memref<1x128xf32, #tpu.memory_space<vmem>>, vector<1x128xf32>
    %add3A_20 = vector.broadcast %get3A_19 : vector<1x128xf32> to vector<2048x128xf32>
    %add3A_21 = arith.addf %dot_general3A_16, %add3A_20 : vector<2048x128xf32>
    %max3A_22 = arith.constant 0.000000e+00 : f32
    %max3A_23 = vector.broadcast %max3A_22 : f32 to vector<2048x128xf32>
    %max3A_24 = arith.maximumf %add3A_21, %max3A_23 : vector<2048x128xf32>
    %get3A_25 = arith.constant 0 : index
    %get3A_26 = arith.constant 0 : index
    %get3A_27 = vector.load %arg6[%get3A_25, %get3A_26] : memref<128x1xf32, #tpu.memory_space<vmem>>, vector<128x1xf32>
    %dot_general3A_28 = arith.constant dense<0.000000e+00> : vector<2048x1xf32>
    %dot_general3A_29 = tpu.matmul %max3A_24, %get3A_27, %dot_general3A_28 {dimension_numbers = #tpu.dot_dimension_numbers<[1], [0], [0], [1], [0, 0, 1, 1], [], []>, transpose_lhs_hint = false} : vector<2048x128xf32>, vector<128x1xf32>, vector<2048x1xf32> -> vector<2048x1xf32>
    %get3A_30 = arith.constant 0 : index
    %get3A_31 = arith.constant 0 : index
    %get3A_32 = vector.load %arg7[%get3A_30, %get3A_31] : memref<1x1xf32, #tpu.memory_space<vmem>>, vector<1x1xf32>
    %add3A_33 = vector.broadcast %get3A_32 : vector<1x1xf32> to vector<2048x1xf32>
    %add3A_34 = arith.addf %dot_general3A_29, %add3A_33 : vector<2048x1xf32>
    %swap3A = arith.constant 0 : index
    %swap3A_35 = arith.constant 0 : index
    %swap3A_36 = vector.load %arg8[%swap3A, %swap3A_35] : memref<2048x1xf32, #tpu.memory_space<vmem>>, vector<2048x1xf32>
    tpu.vector_store %arg8[%swap3A, %swap3A_35], %add3A_34 {strides = array<i32>} : memref<2048x1xf32, #tpu.memory_space<vmem>>, vector<2048x1xf32>,
    return
  }
  func.func @transform_0(%arg0: i32) -> (i32, i32) {
    %c0_i32 = arith.constant 0 : i32
    %c0_i32_0 = arith.constant 0 : i32
    return %arg0, %c0_i32 : i32, i32
  }
  func.func @transform_1(%arg0: i32) -> (i32, i32) {
    %c0_i32 = arith.constant 0 : i32
    %c0_i32_0 = arith.constant 0 : i32
    %c0_i32_1 = arith.constant 0 : i32
    return %c0_i32, %c0_i32_0 : i32, i32
  }
  func.func @transform_2(%arg0: i32) -> (i32, i32) {
    %c0_i32 = arith.constant 0 : i32
    %c0_i32_0 = arith.constant 0 : i32
    %c0_i32_1 = arith.constant 0 : i32
    return %c0_i32, %c0_i32_0 : i32, i32
  }
  func.func @transform_3(%arg0: i32) -> (i32, i32) {
    %c0_i32 = arith.constant 0 : i32
    %c0_i32_0 = arith.constant 0 : i32
    %c0_i32_1 = arith.constant 0 : i32
    return %c0_i32, %c0_i32_0 : i32, i32
  }
  func.func @transform_4(%arg0: i32) -> (i32, i32) {
    %c0_i32 = arith.constant 0 : i32
    %c0_i32_0 = arith.constant 0 : i32
    %c0_i32_1 = arith.constant 0 : i32
    return %c0_i32, %c0_i32_0 : i32, i32
  }
  func.func @transform_5(%arg0: i32) -> (i32, i32) {
    %c0_i32 = arith.constant 0 : i32
    %c0_i32_0 = arith.constant 0 : i32
    %c0_i32_1 = arith.constant 0 : i32
    return %c0_i32, %c0_i32_0 : i32, i32
  }
  func.func @transform_6(%arg0: i32) -> (i32, i32) {
    %c0_i32 = arith.constant 0 : i32
    %c0_i32_0 = arith.constant 0 : i32
    %c0_i32_1 = arith.constant 0 : i32
    return %c0_i32, %c0_i32_0 : i32, i32
  }
  func.func @transform_7(%arg0: i32) -> (i32, i32) {
    %c0_i32 = arith.constant 0 : i32
    %c0_i32_0 = arith.constant 0 : i32
    return %arg0, %c0_i32 : i32, i32
  }
}

</mosaic_0001>

<sc_bundles>
// kernel: kernel.4.cloned.1.call-start
scs
__scs_entry_jumppad:
0x0: {  	(pc) =	sbr.rel $0x88, $3  }
0x1: {  	(tag) =	ssettag $0x0;
	lr =	simm.s32 $0x1  }
0x2: {  	[smem:$0x3F99] =	sst lr;
	_ =	strace $0xD0000000  }
0x3: {  	_ = 	snop  }
0x4: {  	_ = 	snop  }
0x5: {  	_ = 	snop  }
0x6: {  	_ = 	snop  }
0x7: {  	_ = 	snop  }
__scs_overlays_trampoline_lowered:
0x8: {  	[smem:$0x3FA8] =	sst s0  }
0x9: {  	[smem:$0x3FA9] =	sst s1  }
0xa: {  	[smem:$0x3FAA] =	sst s2  }
0xb: {  	[smem:$0x3FAB] =	sst s3  }
0xc: {  	[smem:$0x3FAC] =	sst s4  }
0xd: {  	[smem:$0x3FAD] =	sst s5  }
0xe: {  	[smem:$0x3FAE] =	sst s6  }
0xf: {  	[smem:$0x3FAF] =	sst s7  }
0x10: {  	[smem:$0x3FB0] =	sst s8  }
0x11: {  	[smem:$0x3FB1] =	sst s9;
	s0 =	simm.s32 @!p0 $0x0  }
0x12: {  	s1 =	sld [smem:$0x3F97];
	s0 =	simm.s32 @p0 $0x1  }
0x13: {  	[smem:$0x3FB2] =	sst s0;
	s0 =	simm.s32 @!p1 $0x0  }
0x14: {  	s2 =	sld [smem:$0x3F96];
	s0 =	simm.s32 @p1 $0x1  }
0x15: {  	[smem:$0x3FB3] =	sst s0;
	s0 =	simm.s32 @!p2 $0x0  }
0x16: {  	s3 =	sld [smem:$0x3FDB];
	s0 =	simm.s32 @p2 $0x1  }
0x17: {  	s4 =	simm.s32 $0x1BF5;
	[smem:$0x3FB5] =	sst s0  }
0x18: {  	s0 =	sld [smem:$0x3F98];
	_ =	swait.ge [sflag:s4], $0x0  }
0x19: {  	s7 =	sld [smem:$0x3F99]  }
0x1a: {  	s8 =	sadd.s32 $0xFFFFE003, lr  }
0x1b: {  	s9 =	sadd.s32 $0xFFFFFEF7, lr;
	s5 =	simm.s32 $0xFFFFFFFF;
	p2 =	slt.u32 s8, $0xFFFFF086  }
0x1c: {  	p1 =	slt.u32 s9, $0xF7A;
	s5 =	simm.s32 @!p2 $0x0  }
0x1d: {  	s5 =	simm.s32 @p1 $0x1;
	p0 =	seq.s32 s7, s2  }
0x1e: {  	s7 =	smul.u32 @!p0 $0xF7A, s2;
	p2 =	seq.s32 @!p0 s5, $0x0  }
0x1f: {  	s9 =	smul.u32 $0xF7A, s1;
	s8 =	simm.s32 @!p0 $0x1BF5;
	p2 =	por !p2, p0  }
0x20: {  	[sflag:s8] =	ssyncset.s32 @!p0 $0xFFFFF086;
	s6 =	sadd.s32 @!p0 s3, s7;
	s7 =	simm.s32 @!p0 $0x108  }
0x21: {  	s3 =	sadd.s32 s3, s9;
	s6 =	sadd.s32 @!p0 $0x88, s6;
	s7 =	simm.s32 @p2 $0x1082  }
0x22: {  	[simem:s7], [sflag:s8] =	dma.local @!p0 [hbm:s6], $0xF7A  }
0x23: {  	s9 =	sor.u32 $0xD0000000, s2;
	s6 =	simm.s32 $0x108;
	_ =	swait.ge @!p0 [sflag:s8], $0x0  }
0x24: {  	s3 =	sadd.s32 $0x88, s3;
	s6 =	simm.s32 @!p1 $0x1082;
	[sflag:s4] =	ssyncset.s32 $0xFFFFF086  }
0x25: {  	[simem:s6], [sflag:s4] =	dma.local [hbm:s3], $0xF7A  }
0x26: {  	[smem:$0x3F99] =	sst s1;
	(tag) =	ssettag s2;
	_ =	strace s9  }
0x27: {  	s1 =	sld [smem:$0x3FA9]  }
0x28: {  	s2 =	sld [smem:$0x3FAA]  }
0x29: {  	s4 =	sld [smem:$0x3FAC]  }
0x2a: {  	p0 =	seq.s32 s5, $0x0;
	s5 =	sld [smem:$0x3FAD]  }
0x2b: {  	s6 =	sld [smem:$0x3FAE]  }
0x2c: {  	s7 =	sld [smem:$0x3FAF]  }
0x2d: {  	s3 =	simm.s32 $0x108;
	s8 =	sld [smem:$0x3FB0]  }
0x2e: {  	s3 =	simm.s32 @!p0 $0x1082;
	s9 =	sld [smem:$0x3FB1]  }
0x2f: {  	lr =	sadd.s32 s0, s3;
	s0 =	sld [smem:$0x3FA8]  }
0x30: {  	s3 =	sld [smem:$0x3FAB]  }
0x31: {  	[smem:$0x3FB4] =	sst s10  }
0x32: {  	s10 =	sld [smem:$0x3FB2];
	_ =	sdelay $0x3  }
0x33: {  	p0 =	seq.s32 s10, $0x1;
	s10 =	sld [smem:$0x3FB4];
	_ =	sdelay $0x3  }
0x34: {  	[smem:$0x3FB4] =	sst s10  }
0x35: {  	s10 =	sld [smem:$0x3FB3];
	_ =	sdelay $0x3  }
0x36: {  	p1 =	seq.s32 s10, $0x1;
	s10 =	sld [smem:$0x3FB4];
	_ =	sdelay $0x3  }
0x37: {  	[smem:$0x3FB4] =	sst s10  }
0x38: {  	s10 =	sld [smem:$0x3FB5]  }
0x39: {  	_ = 	snop;
	(pc) =	sbr.ind lr, $3  }
0x3a: {  	_ = 	snop  }
0x3b: {  	_ = 	snop  }
0x3c: {  	p2 =	seq.s32 s10, $0x1;
	s10 =	sld [smem:$0x3FB4]  }
0x3d: {  	_ =	shalt  }
0x3e: {  	_ =	shalt  }
0x3f: {  	_ =	shalt  }
0x40: {  	_ =	shalt  }
0x41: {  	_ =	shalt  }
0x42: {  	_ =	shalt  }
0x43: {  	_ =	shalt  }
0x44: {  	_ =	shalt  }
0x45: {  	_ =	shalt  }
0x46: {  	_ =	shalt  }
0x47: {  	_ =	shalt  }
0x48: {  	_ =	shalt  }
0x49: {  	_ =	shalt  }
0x4a: {  	_ =	shalt  }
0x4b: {  	_ =	shalt  }
0x4c: {  	_ =	shalt  }
0x4d: {  	_ =	shalt  }
0x4e: {  	_ =	shalt  }
0x4f: {  	_ =	shalt  }
0x50: {  	_ =	shalt  }
0x51: {  	_ =	shalt  }
0x52: {  	_ =	shalt  }
0x53: {  	_ =	shalt  }
0x54: {  	_ =	shalt  }
0x55: {  	_ =	shalt  }
0x56: {  	_ =	shalt  }
0x57: {  	_ =	shalt  }
0x58: {  	_ =	shalt  }
0x59: {  	_ =	shalt  }
0x5a: {  	_ =	shalt  }
0x5b: {  	_ =	shalt  }
0x5c: {  	_ =	shalt  }
0x5d: {  	_ =	shalt  }
0x5e: {  	_ =	shalt  }
0x5f: {  	_ =	shalt  }
0x60: {  	_ =	shalt  }
0x61: {  	_ =	shalt  }
0x62: {  	_ =	shalt  }
0x63: {  	_ =	shalt  }
0x64: {  	_ =	shalt  }
0x65: {  	_ =	shalt  }
0x66: {  	_ =	shalt  }
0x67: {  	_ =	shalt  }
0x68: {  	_ =	shalt  }
0x69: {  	_ =	shalt  }
0x6a: {  	_ =	shalt  }
0x6b: {  	_ =	shalt  }
0x6c: {  	_ =	shalt  }
0x6d: {  	_ =	shalt  }
0x6e: {  	_ =	shalt  }
0x6f: {  	_ =	shalt  }
0x70: {  	_ =	shalt  }
0x71: {  	_ =	shalt  }
0x72: {  	_ =	shalt  }
0x73: {  	_ =	shalt  }
0x74: {  	_ =	shalt  }
0x75: {  	_ =	shalt  }
0x76: {  	_ =	shalt  }
0x77: {  	_ =	shalt  }
0x78: {  	_ =	shalt  }
0x79: {  	_ =	shalt  }
0x7a: {  	_ =	shalt  }
0x7b: {  	_ =	shalt  }
0x7c: {  	_ =	shalt  }
0x7d: {  	_ =	shalt  }
0x7e: {  	_ =	shalt  }
0x7f: {  	_ =	shalt  }
0x80: {  	_ =	shalt  }
0x81: {  	_ =	shalt  }
0x82: {  	_ =	shalt  }
0x83: {  	_ =	shalt  }
0x84: {  	_ =	shalt  }
0x85: {  	_ =	shalt  }
0x86: {  	_ =	shalt  }
0x87: {  	_ =	shalt  }
.Lfunc_end0:
.L_simem_size_0:
called_computation_lowered:
.L_overlay_start_0:
0x88: {  	s2 =	sld [smem:$0x3FD9]  }
0x89: {  	s3 =	sld [smem:$0x3FFE];
	_ =	sdelay $0x1  }
0x8a: {  	s1 =	srdreg.scid  }
0x8b: {  	s0 =	sand.u32 $0x1, s1  }
0x8c: {  	s14 =	sshll.u32 s0, $0xA;
	s2 =	sadd.s32 s3, s2  }
0x8d: {  	s2 =	sadd.s32 s2, s14  }
0x8e: {  	[smem:$0x3FC0] =	sst s2  }
0x8f: {  	_ = 	snop  }
0x90: {  	s2 =	sld [smem:$0x3FD0];
	_ =	sdelay $0x1  }
0x91: {  	s15 =	sld [smem:$0x3FC9]  }
0x92: {  	s5 =	simm.s32 $0xA;
	s6 =	simm.s32 $0x10;
	s4 =	sld [smem:$0x3FC8]  }
0x93: {  	[smem:s6], [sflag:s5] =	dma.local [hbm:s2], $0x1  }
0x94: {  	_ =	swait.eq [sflag:s5], $0x1  }
0x95: {  	[sflag:s5] =	ssyncset.done $0x0  }
0x96: {  	[sflag:s5] =	ssyncadd.s32 $0xFFFFFFFF  }
0x97: {  	s16 =	sld [smem:$0x10];
	(tm) =	ssettm $0x1  }
0x98: {  	s17 =	sld [smem:$0x3FFB];
	_ =	sdelay $0x3  }
0x99: {  	_ =	strace s17  }
0x9a: {  	s5 =	sld [smem:$0x3FFC];
	_ =	sdelay $0x3  }
0x9b: {  	_ =	strace s5  }
0x9c: {  	s5 =	sld [smem:$0x3FFD];
	_ =	sdelay $0x3  }
0x9d: {  	_ =	strace s5  }
0x9e: {  	_ =	strace $0x8FFFFFFF  }
0x9f: {  	s18 =	sld [smem:$0x3FDB];
	_ =	sdelay $0x1  }
0xa0: {  	s19 =	simm.s32 $_scs_section_size  }
0xa1: {  	s7 =	simm.s32 $_size__tile_overlayer_lowered;
	s8 =	simm.s32 $_tile_overlayer_lowered  }
0xa2: {  	s22 =	simm.s32 $0x1BFF;
	s21 =	sshll.u32 s8, $0x1;
	s5 =	sadd.s32 s19, s18  }
0xa3: {  	s9 =	simm.s32 $0x0;
	s20 =	sshll.u32 s7, $0x1;
	s7 =	sadd.s32 s21, s5  }
0xa4: {  	[timem:s9], [sflag:s22] =	dma.local [hbm:s7], s20  }
0xa5: {  	_ =	swait.ge [sflag:s22], s20  }
0xa6: {  	s6 =	ssub.s32 $0x0, s20;
	[sflag:s22] =	ssyncset.done $0x0  }
0xa7: {  	[sflag:s22] =	ssyncadd.s32 s6;
	_ =	sdelay $0x1  }
0xa8: {  	s23 =	simm.s32 $0x1B8B  }
0xa9: {  	_ =	swait.ge [sflag:s23], $0x1  }
0xaa: {  	[sflag:s23] =	ssyncset.done $0x0  }
0xab: {  	s25 =	simm.s32 $0x1B8E;
	s24 =	sld [smem:$0x3FFE];
	[sflag:s23] =	ssyncadd.s32 $0xFFFFFFFF  }
0xac: {  	s26 =	simm.s32 $execute0_lowered;
	[smem:$0x3FD2] =	sst s25  }
0xad: {  	s7 =	sshll.u32 s26, $0x1;
	_ =	strace $0x80000046;
	[dreg:$0x1] =	wrdreg $0xFFFFFFFF  }
0xae: {  	s28 =	simm.s32 $_size_execute0_lowered;
	s5 =	sadd.s32 s5, s7;
	[dreg:$0x0] =	wrdreg $0x0  }
0xaf: {  	s7 =	sshll.u32 s28, $0x1;
	[dreg:$0x2] =	wrdreg s5  }
0xb0: {  	[dreg:$0x3] =	wrdreg s7  }
0xb1: {  	[dreg:$0x4] =	wrdreg $0xC0  }
0xb2: {  	_ =	task [dreg:s9], $0x5FFFF  }
0xb3: {  	[dreg:$0x1] =	wrdreg $0xFFFFFFFF  }
0xb4: {  	[dreg:$0x0] =	wrdreg $0x60  }
0xb5: {  	[dreg:$0x2] =	wrdreg s24  }
0xb6: {  	[dreg:$0x3] =	wrdreg s15  }
0xb7: {  	[dreg:$0x4] =	wrdreg s4  }
0xb8: {  	[dreg:$0x5] =	wrdreg s16  }
0xb9: {  	[dreg:$0x6] =	wrdreg $0x9  }
0xba: {  	_ =	task.clear_ibuf [dreg:s9], $0x7FFFF;
	_ =	strace $0x90000046  }
0xbb: {  	s29 =	simm.s32 $0x9;
	_ =	strace $0x80000048  }
0xbc: {  	_ =	swait.ge [sflag:s29], $0x1  }
0xbd: {  	[sflag:s29] =	ssyncadd.s32 $0xFFFFFFFF  }
0xbe: {  	_ =	strace $0x90000048  }
0xbf: {  	_ =	sfence  }
0xc0: {  	s30 =	sld [smem:$0x0];
	_ =	sdelay $0x2  }
0xc1: {  	s31 =	sshll.u32 s1, $0xD;
	s1 =	sshrl.u32 s1, $0x2  }
0xc2: {  	s3 =	sand.u32 $0x4000, s31;
	s1 =	sadd.s32 s1, s30  }
0xc3: {  	s0 =	sor.u32 s3, s0;
	s1 =	sshll.u32 s1, $0x11  }
0xc4: {  	s0 =	sor.u32 s1, s0  }
0xc5: {  	s0 =	sadd.s32 $0x8F2B, s0  }
0xc6: {  	[sflag:s0] =	ssyncadd.remote.s32 $0x1  }
0xc7: {  	_ =	sfence.sel $0xFFFF  }
0xc8: {  	[dreg:$0x0] =	wrdreg $0xFFFFFFFF;
	(pc) =	sbr.abs _section_cstart, $3  }
0xc9: {  	[dreg:$0x1] =	wrdreg $0xFFFFFFFF  }
0xca: {  	_ =	task.clear_ibuf [dreg:s9], $0x2FFFF;
	_ =	strace $0x9FFFFFFF  }
0xcb: {  	(tm) =	ssettm $0x7FFFFFFF  }
tec
execute0_lowered:
.L_overlay_start_1:
0x0: {  	(tag) =	ssettag $0x1  }
0x1: {  	s5 =	rddreg [dreg:$0x0]  }
0x2: {  	s17 =	rddreg [dreg:$0x1]  }
0x3: {  	s2 =	srdreg.scid;
	s18 =	rddreg [dreg:$0x2]  }
0x4: {  	s1 =	stileid.u32;
	s8 =	rddreg [dreg:$0x3]  }
0x5: {  	s25 =	simm.s32 $0x0;
	s11 =	simm.s32 $0x80;
	s0 =	sand.u32 $0x1, s2  }
0x6: {  	s7 =	sshll.u32 s1, $0xA;
	s9 =	sshll.u32 s0, $0x9;
	s0 =	ssub.s32 $0x2, s0  }
0x7: {  	[smem:$0x7FF] =	sst s25;
	s7 =	sor.u32 s9, s7;
	s10 =	sshrl.u32 s0, $0x1  }
0x8: {  	s31 =	sshll.u32 s1, $0x6;
	s7 =	sshrl.u32 s7, $0x3;
	s28 =	ssub.s32 s0, s10  }
0x9: {  	s26 =	sadd.s32 s7, s5;
	s5 =	smul.u32 $0x300, s7;
	s30 =	smax.u32 s28, $0x1  }
0xa: {  	_ =	strace $0x80000047;
	s29 =	sadd.s32 $0xA00, s26;
	[dreg:$0x9] =	wrdreg s30  }
0xb: {  	s1 =	simm.s32 $0x0;
	[dreg:$0x8] =	wrdreg s29;
	s8 =	sadd.s32 s5, s8  }
0xc: {  	s9 =	sor.u32 $0x1C01, s31;
	s10 =	simm.s32 $0x1;
	[dreg:$0x5] =	wrdreg s8  }
.LBB2_1:
0xd: {  	[dreg:$0xa] =	wrdreg s1  }
0xe: {  	s0 =	simm.s32 $0x0;
	s30 =	rddreg [dreg:$0x8];
	s31 =	simm.s32 $0x2  }
0xf: {  	[tilespmem:s0], [sflag:$0x2] =	stream.linear.gather [hbm4b:s30+s0], $0x200, $0x38;
	[tilespmem:$0x200] =	vst v63  }
0x10: {  	_ =	swait.ge [sflag:s31], $0x200  }
0x11: {  	[sflag:s31] =	ssyncset.done $0x0  }
0x12: {  	[sflag:s31] =	ssyncadd.s32 $0xFFFFFE00  }
0x13: {  	v0 =	vld [tilespmem:s0+$0x0];
	_ =	sdelay $0x4  }
0x14: {  	(v2sf) =	vpush v0, $0xD  }
0x15: {  	(v2sf) =	vpush v0, $0x6  }
0x16: {  	(v2sf) =	vpush v0, $0x4  }
0x17: {  	(v2sf) =	vpush v0, $0x2  }
0x18: {  	(v2sf) =	vpush v0, $0x1  }
0x19: {  	(v2sf) =	vpush v0, $0x0  }
0x1a: {  	(v2sf) =	vpush v0, $0xC  }
0x1b: {  	(v2sf) =	vpush v0, $0x3  }
0x1c: {  	(v2sf) =	vpush v0, $0x7  }
0x1d: {  	s13 =	rddreg [dreg:$0x5];
	(v2sf) =	vpush v0, $0xE  }
0x1e: {  	s15 =	simm.s32 $0x600;
	s16 =	simm.s32 $0x0;
	s13 =	sadd.s32 $0x0, s13;
	(v2sf) =	vpush v0, $0x8  }
0x1f: {  	s14 =	simm.s32 $0x0;
	s19 =	sadd.s32 $0x20, s13;
	s25 =	sadd.s32 $0x10, s13;
	(v2sf) =	vpush v0, $0x5  }
.LBB2_2:
0x20: {  	_ = 	snop  }
0x21: {  	s0 =	smov.u32 s15;
	s8 =	sadd.s32 $0x370, s13;
	s23 =	sadd.s32 $0x330, s13  }
0x22: {  	s31 =	smov.u32 s17;
	s29 =	sadd.s32 $0x30, s13;
	s1 =	smov.u32 s17  }
0x23: {  	s6 =	smov.u32 s17;
	[dreg:$0x6] =	wrdreg s0;
	s24 =	spop (v2sf)  }
0x24: {  	(v2sf) =	vpush v0, $0x9;
	[dreg:$0x7] =	wrdreg s8;
	s0 =	smov.u32 s17;
	s20 =	spop (v2sf)  }
0x25: {  	p2 =	sgt.f32 s24, $0.0e+00;
	s24 =	sadd.s32 $0x320, s13;
	s21 =	spop (v2sf)  }
0x26: {  	p1 =	sgt.f32 s20, $0.0e+00;
	s20 =	sadd.s32 $0x360, s13;
	s22 =	spop (v2sf)  }
0x27: {  	p3 =	sgt.f32 s21, $0.0e+00;
	s21 =	sadd.s32 $0x350, s13;
	s26 =	spop (v2sf)  }
0x28: {  	(v2sf) =	vpush v0, $0xA;
	p4 =	sgt.f32 s22, $0.0e+00;
	s22 =	sadd.s32 $0x340, s13;
	s28 =	spop (v2sf)  }
0x29: {  	p6 =	sgt.f32 s26, $0.0e+00;
	s26 =	sadd.s32 $0x40, s13;
	s30 =	spop (v2sf)  }
0x2a: {  	p5 =	sgt.f32 s28, $0.0e+00;
	s31 =	smov.u32 @p4 s18;
	s28 =	smov.u32 s17  }
0x2b: {  	s12 =	spop (v2sf);
	s1 =	smov.u32 @p6 s18;
	s31 =	sadd.s32 s31, s5  }
0x2c: {  	s28 =	smov.u32 @p3 s18;
	s2 =	spop (v2sf);
	s0 =	smov.u32 @p5 s18  }
0x2d: {  	s31 =	sadd.s32 s14, s31;
	p4 =	sgt.f32 s12, $0.0e+00;
	s1 =	sadd.s32 s1, s5  }
0x2e: {  	s12 =	smov.u32 s17;
	s4 =	spop (v2sf);
	s0 =	sadd.s32 s0, s5  }
0x2f: {  	p5 =	sgt.f32 s2, $0.0e+00;
	s2 =	smov.u32 s17;
	s1 =	sadd.s32 s14, s1  }
0x30: {  	s31 =	sadd.s32 $0x20, s31;
	s7 =	spop (v2sf);
	s0 =	sadd.s32 s14, s0  }
0x31: {  	s1 =	sadd.s32 $0x10, s1;
	s12 =	smov.u32 @p4 s18;
	p3 =	sgt.f32 s4, $0.0e+00  }
0x32: {  	s4 =	smov.u32 s17;
	s3 =	spop (v2sf);
	s2 =	smov.u32 @p5 s18  }
0x33: {  	s12 =	sadd.s32 s12, s5;
	p6 =	sgt.f32 s3, $0.0e+00;
	s8 =	spop (v2sf)  }
0x34: {  	s3 =	sadd.s32 s28, s5;
	s28 =	smov.u32 s17;
	s12 =	sadd.s32 s14, s12  }
0x35: {  	s28 =	smov.u32 @p2 s18;
	p2 =	sgt.f32 s30, $0.0e+00;
	s12 =	sadd.s32 $0x30, s12  }
0x36: {  	(v2sf) =	vpush v0, $0xB;
	s3 =	sadd.s32 s14, s3;
	s6 =	smov.u32 @p6 s18;
	s28 =	sadd.s32 s28, s5  }
0x37: {  	s3 =	sadd.s32 $0x40, s3;
	s28 =	sadd.s32 s14, s28;
	s30 =	spop (v2sf);
	(v2sf) =	vpush v0, $0xF  }
0x38: {  	[hbm:s13@s11], [sflag:s9] =	dma.strided [hbm:s0@s11], $0x60, s10, $0x10   }
0x39: {  	s6 =	sadd.s32 s6, s5;
	s28 =	sadd.s32 $0x350, s28;
	p4 =	sgt.f32 s30, $0.0e+00  }
0x3a: {  	[hbm:s25@s11], [sflag:s9] =	dma.strided [hbm:s1@s11], $0x60, s10, $0x10   }
0x3b: {  	s25 =	sadd.s32 s14, s6;
	s6 =	sadd.s32 s2, s5;
	s1 =	smov.u32 s17  }
0x3c: {  	s2 =	smov.u32 s17;
	s1 =	smov.u32 @p2 s18;
	p2 =	sgt.f32 s7, $0.0e+00  }
0x3d: {  	[hbm:s19@s11], [sflag:s9] =	dma.strided [hbm:s31@s11], $0x60, s10, $0x10   }
0x3e: {  	s0 =	sadd.s32 s14, s6;
	s2 =	smov.u32 @p4 s18;
	s6 =	smov.u32 s17  }
0x3f: {  	s7 =	smov.u32 s17;
	s25 =	sadd.s32 $0x50, s25;
	s31 =	sadd.s32 $0x50, s13  }
0x40: {  	[hbm:s29@s11], [sflag:s9] =	dma.strided [hbm:s12@s11], $0x60, s10, $0x10   }
0x41: {  	s1 =	sadd.s32 s1, s5;
	s0 =	sadd.s32 $0x70, s0;
	s2 =	sadd.s32 s2, s5  }
0x42: {  	s12 =	sadd.s32 $0x310, s13;
	s19 =	sadd.s32 s14, s1;
	s1 =	smov.u32 s17  }
0x43: {  	s4 =	smov.u32 @p2 s18;
	s2 =	sadd.s32 s14, s2;
	s1 =	smov.u32 @p3 s18  }
0x44: {  	p3 =	sgt.f32 s8, $0.0e+00;
	s4 =	sadd.s32 s4, s5;
	s8 =	sadd.s32 $0x300, s13  }
0x45: {  	s2 =	sadd.s32 $0x320, s2;
	s19 =	sadd.s32 $0x340, s19;
	s1 =	sadd.s32 s1, s5  }
0x46: {  	s4 =	sadd.s32 s14, s4;
	s29 =	spop (v2sf);
	s6 =	smov.u32 @p3 s18  }
0x47: {  	[hbm:s26@s11], [sflag:s9] =	dma.strided [hbm:s3@s11], $0x60, s10, $0x10   }
0x48: {  	s1 =	sadd.s32 s14, s1;
	s4 =	sadd.s32 $0x300, s4;
	s3 =	smov.u32 s17  }
0x49: {  	p2 =	sgt.f32 s29, $0.0e+00;
	s6 =	sadd.s32 s6, s5;
	s3 =	smov.u32 @p1 s18  }
0x4a: {  	s26 =	sadd.s32 $0x70, s13;
	s29 =	smov.u32 s17;
	s3 =	sadd.s32 s3, s5  }
0x4b: {  	s7 =	smov.u32 @p2 s18;
	s3 =	sadd.s32 s14, s3;
	s30 =	spop (v2sf)  }
0x4c: {  	s3 =	sadd.s32 $0x60, s3;
	p1 =	sgt.f32 s30, $0.0e+00;
	s30 =	sadd.s32 $0x60, s13  }
0x4d: {  	[hbm:s31@s11], [sflag:s9] =	dma.strided [hbm:s25@s11], $0x60, s10, $0x10   }
0x4e: {  	[hbm:s30@s11], [sflag:s9] =	dma.strided [hbm:s3@s11], $0x60, s10, $0x10   }
0x4f: {  	s1 =	sadd.s32 $0x360, s1;
	s7 =	sadd.s32 s7, s5;
	s29 =	smov.u32 @p1 s18  }
0x50: {  	[hbm:s26@s11], [sflag:s9] =	dma.strided [hbm:s0@s11], $0x60, s10, $0x10   }
0x51: {  	s6 =	sadd.s32 s14, s6;
	s7 =	sadd.s32 s14, s7;
	s29 =	sadd.s32 s29, s5  }
0x52: {  	[hbm:s8@s11], [sflag:s9] =	dma.strided [hbm:s4@s11], $0x60, s10, $0x10   }
0x53: {  	s6 =	sadd.s32 $0x310, s6;
	s7 =	sadd.s32 $0x330, s7;
	s29 =	sadd.s32 s14, s29  }
0x54: {  	[hbm:s12@s11], [sflag:s9] =	dma.strided [hbm:s6@s11], $0x60, s10, $0x10   }
0x55: {  	[hbm:s24@s11], [sflag:s9] =	dma.strided [hbm:s2@s11], $0x60, s10, $0x10   }
0x56: {  	[hbm:s23@s11], [sflag:s9] =	dma.strided [hbm:s7@s11], $0x60, s10, $0x10   }
0x57: {  	[hbm:s22@s11], [sflag:s9] =	dma.strided [hbm:s19@s11], $0x60, s10, $0x10   }
0x58: {  	[hbm:s21@s11], [sflag:s9] =	dma.strided [hbm:s28@s11], $0x60, s10, $0x10   }
0x59: {  	[hbm:s20@s11], [sflag:s9] =	dma.strided [hbm:s1@s11], $0x60, s10, $0x10   }
0x5a: {  	s16 =	sadd.s32 $0x10, s16;
	s14 =	sadd.s32 $0x370, s29;
	s30 =	rddreg [dreg:$0x7]  }
0x5b: {  	[hbm:s30@s11], [sflag:s9] =	dma.strided [hbm:s14@s11], $0x60, s10, $0x10   }
0x5c: {  	v0 =	vld [tilespmem:s16+$0x0];
	_ =	sdelay $0x4  }
0x5d: {  	(v2sf) =	vpush v0, $0xD  }
0x5e: {  	(v2sf) =	vpush v0, $0x6  }
0x5f: {  	(v2sf) =	vpush v0, $0x4  }
0x60: {  	(v2sf) =	vpush v0, $0x2  }
0x61: {  	(v2sf) =	vpush v0, $0x1  }
0x62: {  	(v2sf) =	vpush v0, $0x0  }
0x63: {  	p0 =	sne.s32 s15, $0xBA00;
	(v2sf) =	vpush v0, $0xC  }
.Ltmp0:
0x64: {  	(v2sf) =	vpush v0, $0x3;
	(pc) =	sbr.rel @p0 .LBB2_2-.Ltmp0, $4  }
0x65: {  	s31 =	rddreg [dreg:$0x6];
	(v2sf) =	vpush v0, $0x7  }
0x66: {  	s0 =	rddreg [dreg:$0x5];
	s14 =	smov.u32 s31;
	(v2sf) =	vpush v0, $0xE  }
0x67: {  	s13 =	sadd.s32 s14, s0;
	(v2sf) =	vpush v0, $0x8  }
0x68: {  	s15 =	sadd.s32 $0x600, s15;
	s19 =	sadd.s32 $0x20, s13;
	s25 =	sadd.s32 $0x10, s13;
	(v2sf) =	vpush v0, $0x5  }
0x69: {  	_ =	sdelay $0x1  }
0x6a: {  	(v2sf) =	vpush v0, $0x9  }
0x6b: {  	(v2sf) =	vpush v0, $0xA;
	s15 =	spop (v2sf)  }
0x6c: {  	s1 =	spop (v2sf)  }
0x6d: {  	s2 =	spop (v2sf)  }
0x6e: {  	s3 =	spop (v2sf)  }
0x6f: {  	s4 =	spop (v2sf)  }
0x70: {  	s6 =	spop (v2sf)  }
0x71: {  	s0 =	spop (v2sf)  }
0x72: {  	s7 =	spop (v2sf)  }
0x73: {  	p0 =	sgt.f32 s6, $0.0e+00;
	s8 =	spop (v2sf)  }
0x74: {  	s30 =	sadd.s32 $0x30, s13;
	s6 =	smov.u32 s17;
	s16 =	spop (v2sf)  }
0x75: {  	s6 =	smov.u32 @p0 s18;
	p0 =	sgt.f32 s4, $0.0e+00;
	s22 =	spop (v2sf)  }
0x76: {  	p2 =	sgt.f32 s2, $0.0e+00;
	s4 =	smov.u32 s17;
	s12 =	spop (v2sf);
	(v2sf) =	vpush v0, $0xB  }
0x77: {  	p1 =	sgt.f32 s7, $0.0e+00;
	s6 =	sadd.s32 s6, s5;
	s4 =	smov.u32 @p0 s18  }
0x78: {  	s24 =	sadd.s32 s14, s6;
	p0 =	sgt.f32 s3, $0.0e+00;
	s4 =	sadd.s32 s4, s5;
	(v2sf) =	vpush v0, $0xF  }
0x79: {  	s3 =	smov.u32 s17;
	s21 =	spop (v2sf);
	s4 =	sadd.s32 s14, s4  }
0x7a: {  	s3 =	smov.u32 @p0 s18;
	p0 =	sgt.f32 s1, $0.0e+00;
	s20 =	spop (v2sf)  }
0x7b: {  	s26 =	sadd.s32 $0x10, s4;
	s28 =	sadd.s32 s3, s5;
	s3 =	smov.u32 s17  }
0x7c: {  	[hbm:s13@s11], [sflag:s9] =	dma.strided [hbm:s24@s11], $0x60, s10, $0x10   }
0x7d: {  	s1 =	sadd.s32 s14, s28;
	s3 =	smov.u32 @p1 s18;
	p1 =	sgt.f32 s12, $0.0e+00  }
0x7e: {  	[hbm:s25@s11], [sflag:s9] =	dma.strided [hbm:s26@s11], $0x60, s10, $0x10   }
0x7f: {  	s29 =	sadd.s32 s3, s5;
	s1 =	sadd.s32 $0x20, s1;
	s3 =	smov.u32 s17  }
0x80: {  	[hbm:s19@s11], [sflag:s9] =	dma.strided [hbm:s1@s11], $0x60, s10, $0x10   }
0x81: {  	s4 =	smov.u32 s17;
	s3 =	smov.u32 @p2 s18;
	s2 =	sadd.s32 s14, s29  }
0x82: {  	s4 =	smov.u32 @p1 s18;
	s3 =	sadd.s32 s3, s5;
	s2 =	sadd.s32 $0x30, s2  }
0x83: {  	[hbm:s30@s11], [sflag:s9] =	dma.strided [hbm:s2@s11], $0x60, s10, $0x10   }
0x84: {  	s31 =	sadd.s32 $0x40, s13;
	s4 =	sadd.s32 s4, s5;
	s3 =	sadd.s32 s14, s3  }
0x85: {  	s2 =	sadd.s32 s14, s4;
	s3 =	sadd.s32 $0x40, s3;
	s6 =	spop (v2sf)  }
0x86: {  	[hbm:s31@s11], [sflag:s9] =	dma.strided [hbm:s3@s11], $0x60, s10, $0x10   }
0x87: {  	s7 =	sadd.s32 $0x50, s13;
	s2 =	sadd.s32 $0x50, s2;
	s1 =	spop (v2sf)  }
0x88: {  	[hbm:s7@s11], [sflag:s9] =	dma.strided [hbm:s2@s11], $0x60, s10, $0x10   }
0x89: {  	s2 =	smov.u32 s17  }
0x8a: {  	s2 =	smov.u32 @p0 s18  }
0x8b: {  	s2 =	sadd.s32 s2, s5  }
0x8c: {  	s2 =	sadd.s32 s14, s2  }
0x8d: {  	s12 =	sadd.s32 $0x60, s13;
	p0 =	sgt.f32 s8, $0.0e+00;
	s2 =	sadd.s32 $0x60, s2  }
0x8e: {  	[hbm:s12@s11], [sflag:s9] =	dma.strided [hbm:s2@s11], $0x60, s10, $0x10   }
0x8f: {  	s2 =	smov.u32 s17  }
0x90: {  	s2 =	smov.u32 @p0 s18  }
0x91: {  	s2 =	sadd.s32 s2, s5  }
0x92: {  	s2 =	sadd.s32 s14, s2  }
0x93: {  	s19 =	sadd.s32 $0x70, s13;
	p0 =	sgt.f32 s22, $0.0e+00;
	s2 =	sadd.s32 $0x70, s2  }
0x94: {  	[hbm:s19@s11], [sflag:s9] =	dma.strided [hbm:s2@s11], $0x60, s10, $0x10   }
0x95: {  	s2 =	smov.u32 s17  }
0x96: {  	s2 =	smov.u32 @p0 s18  }
0x97: {  	s2 =	sadd.s32 s2, s5  }
0x98: {  	s2 =	sadd.s32 s14, s2  }
0x99: {  	p0 =	sgt.f32 s21, $0.0e+00;
	s21 =	sadd.s32 $0x300, s13;
	s2 =	sadd.s32 $0x300, s2  }
0x9a: {  	[hbm:s21@s11], [sflag:s9] =	dma.strided [hbm:s2@s11], $0x60, s10, $0x10   }
0x9b: {  	s2 =	smov.u32 s17  }
0x9c: {  	s2 =	smov.u32 @p0 s18  }
0x9d: {  	s2 =	sadd.s32 s2, s5  }
0x9e: {  	s2 =	sadd.s32 s14, s2  }
0x9f: {  	s22 =	sadd.s32 $0x310, s13;
	p0 =	sgt.f32 s20, $0.0e+00;
	s2 =	sadd.s32 $0x310, s2  }
0xa0: {  	[hbm:s22@s11], [sflag:s9] =	dma.strided [hbm:s2@s11], $0x60, s10, $0x10   }
0xa1: {  	s2 =	smov.u32 s17  }
0xa2: {  	s2 =	smov.u32 @p0 s18  }
0xa3: {  	s2 =	sadd.s32 s2, s5  }
0xa4: {  	s2 =	sadd.s32 s14, s2  }
0xa5: {  	s23 =	sadd.s32 $0x320, s13;
	p0 =	sgt.f32 s6, $0.0e+00;
	s2 =	sadd.s32 $0x320, s2  }
0xa6: {  	[hbm:s23@s11], [sflag:s9] =	dma.strided [hbm:s2@s11], $0x60, s10, $0x10   }
0xa7: {  	s2 =	smov.u32 s17  }
0xa8: {  	s2 =	smov.u32 @p0 s18;
	p0 =	sgt.f32 s0, $0.0e+00  }
0xa9: {  	s0 =	smov.u32 s17;
	s2 =	sadd.s32 s2, s5  }
0xaa: {  	s2 =	sadd.s32 s14, s2;
	s0 =	smov.u32 @p0 s18  }
0xab: {  	s24 =	sadd.s32 $0x330, s13;
	s2 =	sadd.s32 $0x330, s2;
	s0 =	sadd.s32 s0, s5  }
0xac: {  	[hbm:s24@s11], [sflag:s9] =	dma.strided [hbm:s2@s11], $0x60, s10, $0x10   }
0xad: {  	s0 =	sadd.s32 s14, s0  }
0xae: {  	s25 =	sadd.s32 $0x340, s13;
	p0 =	sgt.f32 s15, $0.0e+00;
	s0 =	sadd.s32 $0x340, s0  }
0xaf: {  	[hbm:s25@s11], [sflag:s9] =	dma.strided [hbm:s0@s11], $0x60, s10, $0x10   }
0xb0: {  	s0 =	smov.u32 s17  }
0xb1: {  	s0 =	smov.u32 @p0 s18  }
0xb2: {  	s0 =	sadd.s32 s0, s5  }
0xb3: {  	s0 =	sadd.s32 s14, s0  }
0xb4: {  	s26 =	sadd.s32 $0x350, s13;
	p0 =	sgt.f32 s16, $0.0e+00;
	s0 =	sadd.s32 $0x350, s0  }
0xb5: {  	[hbm:s26@s11], [sflag:s9] =	dma.strided [hbm:s0@s11], $0x60, s10, $0x10   }
0xb6: {  	s0 =	smov.u32 s17  }
0xb7: {  	s0 =	smov.u32 @p0 s18  }
0xb8: {  	s0 =	sadd.s32 s0, s5  }
0xb9: {  	s0 =	sadd.s32 s14, s0  }
0xba: {  	s28 =	sadd.s32 $0x360, s13;
	p0 =	sgt.f32 s1, $0.0e+00;
	s0 =	sadd.s32 $0x360, s0  }
0xbb: {  	[hbm:s28@s11], [sflag:s9] =	dma.strided [hbm:s0@s11], $0x60, s10, $0x10   }
0xbc: {  	s0 =	smov.u32 s17  }
0xbd: {  	s0 =	smov.u32 @p0 s18  }
0xbe: {  	s0 =	sadd.s32 s0, s5  }
0xbf: {  	s0 =	sadd.s32 s14, s0  }
0xc0: {  	s29 =	sadd.s32 $0x370, s13;
	s0 =	sadd.s32 $0x370, s0  }
0xc1: {  	[hbm:s29@s11], [sflag:s9] =	dma.strided [hbm:s0@s11], $0x60, s10, $0x10   }
0xc2: {  	_ =	swait.ge [sflag:s10], $0xC000  }
0xc3: {  	s30 =	rddreg [dreg:$0xa]  }
0xc4: {  	s31 =	rddreg [dreg:$0x9];
	s1 =	sadd.s32 $0x1, s30  }
0xc5: {  	p0 =	sne.s32 s1, s31  }
.Ltmp1:
0xc6: {  	_ = 	snop;
	(pc) =	sbr.rel @p0 .LBB2_1-.Ltmp1, $3  }
0xc7: {  	_ =	sdelay $0x1  }
0xc8: {  	[sflag:s10] =	ssyncset.done $0x0  }
0xc9: {  	[sflag:s10] =	ssyncadd.s32 $0xFFFF4000  }
0xca: {  	_ =	sfence.sel $0x180000  }
0xcb: {  	[bflag:$0x0] =	sbarrier.arrive $0xFFFF  }
0xcc: {  	_ =	strace $0x90000047  }
0xcd: {  	s0 =	stileid.u32;
	[bflag:$0x2] =	sbarrier.arrive $0xFFFF  }
0xce: {  	p0 =	sne.s32 s0, $0x0;
	s0 =	rddreg [dreg:$0x4]  }
0xcf: {  	s0 =	sadd.s32 @!p0 $0x100000, s0  }
0xd0: {  	[sflag:s0] =	ssyncadd.tile.s32 @!p0 $0x1;
	_ =	shalt  }
.Lfunc_end2:
_tile_overlayer_lowered:
.L_overlay_start_2:
0xd1: {  	(tag) =	ssettag $0x2  }
0xd2: {  	s0 =	rddreg [dreg:$0x0];
	s2 =	stileid.u32  }
0xd3: {  	s1 =	rddreg [dreg:$0x1];
	p0 =	sne.s32 s2, $0x0  }
0xd4: {  	s3 =	rddreg [dreg:$0x2];
	[bflag:$0x3] =	sbarrier.arrive $0xFFFF;
	s2 =	simm.s32 @!p0 $0x1C02  }
0xd5: {  	[timem:s3], [sflag:s2] =	dma.local @!p0 [hbm:s0], s1  }
0xd6: {  	s0 =	simm.s32 @!p0 $0x2  }
0xd7: {  	_ =	swait.ge @!p0 [sflag:s0], s1  }
0xd8: {  	s1 =	ssub.s32 @!p0 $0x0, s1;
	[sflag:s0] =	ssyncset.done @!p0 $0x0  }
0xd9: {  	[sflag:s0] =	ssyncadd.s32 @!p0 s1  }
0xda: {  	[bflag:$0x3] =	sbarrier.arrive $0xFFFF  }
0xdb: {  	_ =	shalt  }

</sc_bundles>
